<compile_context>
chip_gen: v7x
topology: tpu7x:2x2x1
jax: 0.10.2.dev20260603
libtpu: 0.0.44.dev20260713+nightly
codegen_flags: <defaults>
</compile_context>

<pallas_src>
import functools

import jax
import jax.numpy as jnp
from jax import lax
from jax.experimental import pallas as pl
from jax.experimental.pallas import tpu as pltpu
from jax.experimental.pallas import tpu_sc as plsc

F = 26
N = 1000
R = 16
B = 16384
L = 16
NC = 2
NS = 16
W = NC * NS
PW = (B * F) // W


def _sc_body(xt, yt, scf, std, out, xv_ref, yv_ref, tbl0_ref, tbl1_ref,
             std0_ref, std1_ref, out_ref, sem0, sem1):
    wid = lax.axis_index("s") * NC + lax.axis_index("c")
    start = wid * PW
    end = start + PW

    f0 = start // B
    f1 = (end - 1) // B
    mid = jnp.minimum(end, (f0 + 1) * B)

    c_x = pltpu.async_copy(xt.at[pl.ds(start, PW)], xv_ref, sem0)
    c_y = pltpu.async_copy(yt.at[pl.ds(start, PW)], yv_ref, sem0)
    c_t0 = pltpu.async_copy(scf.at[f0], tbl0_ref, sem0)
    c_s0 = pltpu.async_copy(std.at[f0], std0_ref, sem0)
    c_t1 = pltpu.async_copy(scf.at[f1], tbl1_ref, sem1)
    c_s1 = pltpu.async_copy(std.at[f1], std1_ref, sem1)

    def run_segment(tbl_ref, std_ref, base, length):
        @plsc.parallel_loop(base, base + length, L, unroll=4)
        def group_body(off):
            xv = xv_ref[pl.ds(off, L)]
            yv = yv_ref[pl.ds(off, L)]
            acc = jnp.zeros((L,), jnp.float32)
            for r in range(R):
                gx = plsc.load_gather(tbl_ref, [xv + r * N])
                gy = plsc.load_gather(tbl_ref, [yv + r * N])
                acc = acc + (gx * gx) * (gy * gy)
            sv = plsc.load_gather(std_ref, [xv])
            acc = acc + jnp.where(xv == yv, sv * sv, 0.0)
            out_ref[pl.ds(off, L)] = acc

    c_x.wait()
    c_y.wait()
    c_t0.wait()
    c_s0.wait()
    run_segment(tbl0_ref, std0_ref, 0, mid - start)
    c_t1.wait()
    c_s1.wait()
    run_segment(tbl1_ref, std1_ref, mid - start, end - mid)

    pltpu.sync_copy(out_ref, out.at[pl.ds(start, PW)])


@functools.partial(jax.jit)
def _sc_call(xt, yt, scf, std):
    mesh = plsc.VectorSubcoreMesh(core_axis_name="c", subcore_axis_name="s")
    k = pl.kernel(
        _sc_body,
        mesh=mesh,
        compiler_params=pltpu.CompilerParams(
            needs_layout_passes=False,
            skip_device_barrier=True,
            disable_bounds_checks=True,
            disable_semaphore_checks=True,
        ),
        out_type=jax.ShapeDtypeStruct((B * F,), jnp.float32),
        scratch_types=[
            pltpu.VMEM((PW,), jnp.int32),
            pltpu.VMEM((PW,), jnp.int32),
            pltpu.VMEM((N * R,), jnp.float32),
            pltpu.VMEM((N * R,), jnp.float32),
            pltpu.VMEM((N,), jnp.float32),
            pltpu.VMEM((N,), jnp.float32),
            pltpu.VMEM((PW,), jnp.float32),
            pltpu.SemaphoreType.DMA,
            pltpu.SemaphoreType.DMA,
        ],
    )
    return k(xt, yt, scf, std)


def kernel(x, y, sqrt_covar_factor, std):
    xt = x.astype(jnp.int32).T.reshape(B * F)
    yt = y.astype(jnp.int32).T.reshape(B * F)
    scf_t = sqrt_covar_factor.transpose(0, 2, 1).reshape(F, R * N)
    out_flat = _sc_call(xt, yt, scf_t, std)
    return out_flat.reshape(F, B).T

# --- scband reference (transcript-rebuilt; emitter-appended) ---
"""Pipeline reference for scband-index-kernel-18021682774477 (READ-ONLY COPY).

The authoritative reference and input builder live on the scoring server;
editing this copy changes nothing except your own understanding.
"""

import jax, jax.numpy as jnp
import numpy as np

F = 26          # number of categorical fields
N = 1000        # nb_category per field
R = 16          # rank
B = 16384       # batch
FRACTION_DIAGONAL = 0.9


def setup_inputs(seed: int = 0) -> dict:
    key = jax.random.key(seed)
    kx, ky = jax.random.split(key, 2)
    x = jax.random.randint(kx, (B, F), 0, N, dtype=jnp.int64)
    y = jax.random.randint(ky, (B, F), 0, N, dtype=jnp.int64)
    w = np.sqrt((1.0 - FRACTION_DIAGONAL) / np.sqrt(R))
    sqrt_covar_factor = w * jnp.ones((F, N, R), dtype=jnp.float32)
    std = FRACTION_DIAGONAL * jnp.ones((F, N), dtype=jnp.float32)
    return {"x": x, "y": y, "sqrt_covar_factor": sqrt_covar_factor, "std": std}


def reference(x, y, sqrt_covar_factor, std):
    # IndexKernel.forward: per field, build covariance = (scf^2)(scf^2)^T + diag(std^2),
    # then gather covariance[x[:, i], y[:, i]]; stack over fields on last dim.
    covar_factor = sqrt_covar_factor * sqrt_covar_factor           # [F, N, R]
    covariance = jnp.einsum('fnr,fmr->fnm', covar_factor, covar_factor)  # [F, N, N]
    covariance = covariance + jax.vmap(jnp.diag)(std * std)        # add diag(std^2) per field
    f_idx = jnp.arange(covariance.shape[0])[None, :]                # [1, F]
    out = covariance[f_idx, x, y]                                   # [B, F]
    return out

if __name__ == "__main__":
    import jax
    _d = setup_inputs()
    print(jax.jit(kernel)(*tuple(_d.values())))

</pallas_src>

<mosaic_0001>
#map = affine_map<(d0, d1) -> (0)>
#map1 = affine_map<(d0, d1) -> (0, 0)>
module attributes {stable_mosaic.version = 14 : i64} {
  func.func @_sc_body(%arg0: i32, %arg1: i32, %arg2: memref<425984xi32, #tpu.memory_space<hbm>>, %arg3: memref<425984xi32, #tpu.memory_space<hbm>>, %arg4: memref<26x16000xf32, #tpu.memory_space<hbm>>, %arg5: memref<26x1000xf32, #tpu.memory_space<hbm>>, %arg6: memref<425984xf32, #tpu.memory_space<hbm>>, %arg7: memref<13312xi32, #tpu.memory_space<vmem>>, %arg8: memref<13312xi32, #tpu.memory_space<vmem>>, %arg9: memref<16000xf32, #tpu.memory_space<vmem>>, %arg10: memref<16000xf32, #tpu.memory_space<vmem>>, %arg11: memref<1000xf32, #tpu.memory_space<vmem>>, %arg12: memref<1000xf32, #tpu.memory_space<vmem>>, %arg13: memref<13312xf32, #tpu.memory_space<vmem>>, %arg14: memref<!tpu.dma_semaphore, #tpu.memory_space<semaphore_mem>>, %arg15: memref<!tpu.dma_semaphore, #tpu.memory_space<semaphore_mem>>) attributes {dimension_semantics = [#tpu.dimension_semantics<core_parallel>, #tpu.dimension_semantics<subcore_parallel>], iteration_bounds = array<i64: 2, 16>, scalar_prefetch = 0 : i64, scratch_operands = 9 : i64, tpu.core_type = #tpu.core_type<sc_vector_subcore>, window_params = [{transform_indices = #map}, {transform_indices = #map}, {transform_indices = #map1}, {transform_indices = #map1}, {transform_indices = #map}]} {
    %mul3A = arith.constant 2 : i32
    %mul3A_0 = arith.muli %arg1, %mul3A : i32
    %add3A = arith.addi %mul3A_0, %arg0 : i32
    %mul3A_1 = arith.constant 13312 : i32
    %mul3A_2 = arith.muli %add3A, %mul3A_1 : i32
    %add3A_3 = arith.constant 13312 : i32
    %add3A_4 = arith.addi %mul3A_2, %add3A_3 : i32
    %jit3A = arith.constant 16384 : i32
    %div3A = arith.divsi %mul3A_2, %jit3A : i32
    %sign3A = arith.constant 0 : i32
    %sign3A_5 = arith.cmpi sgt, %mul3A_2, %sign3A : i32
    %sign3A_6 = arith.extui %sign3A_5 : i1 to i32
    %sign3A_7 = arith.constant 0 : i32
    %sign3A_8 = arith.cmpi slt, %mul3A_2, %sign3A_7 : i32
    %sign3A_9 = arith.extui %sign3A_8 : i1 to i32
    %sign3A_10 = arith.subi %sign3A_6, %sign3A_9 : i32
    %sign3A_11 = arith.constant 0 : i32
    %sign3A_12 = arith.cmpi sgt, %jit3A, %sign3A_11 : i32
    %sign3A_13 = arith.extui %sign3A_12 : i1 to i32
    %sign3A_14 = arith.constant 0 : i32
    %sign3A_15 = arith.cmpi slt, %jit3A, %sign3A_14 : i32
    %sign3A_16 = arith.extui %sign3A_15 : i1 to i32
    %sign3A_17 = arith.subi %sign3A_13, %sign3A_16 : i32
    %ne3A = arith.cmpi ne, %sign3A_10, %sign3A_17 : i32
    %rem3A = arith.remsi %mul3A_2, %jit3A : i32
    %ne3A_18 = arith.constant 0 : i32
    %ne3A_19 = arith.cmpi ne, %rem3A, %ne3A_18 : i32
    %and3A = arith.andi %ne3A, %ne3A_19 : i1
    %sub3A = arith.constant 1 : i32
    %sub3A_20 = arith.subi %div3A, %sub3A : i32
    %select_n3A = arith.select %and3A, %sub3A_20, %div3A : i32
    %sub3A_21 = arith.constant 1 : i32
    %sub3A_22 = arith.subi %add3A_4, %sub3A_21 : i32
    %jit3A_23 = arith.constant 16384 : i32
    %div3A_24 = arith.divsi %sub3A_22, %jit3A_23 : i32
    %sign3A_25 = arith.constant 0 : i32
    %sign3A_26 = arith.cmpi sgt, %sub3A_22, %sign3A_25 : i32
    %sign3A_27 = arith.extui %sign3A_26 : i1 to i32
    %sign3A_28 = arith.constant 0 : i32
    %sign3A_29 = arith.cmpi slt, %sub3A_22, %sign3A_28 : i32
    %sign3A_30 = arith.extui %sign3A_29 : i1 to i32
    %sign3A_31 = arith.subi %sign3A_27, %sign3A_30 : i32
    %sign3A_32 = arith.constant 0 : i32
    %sign3A_33 = arith.cmpi sgt, %jit3A_23, %sign3A_32 : i32
    %sign3A_34 = arith.extui %sign3A_33 : i1 to i32
    %sign3A_35 = arith.constant 0 : i32
    %sign3A_36 = arith.cmpi slt, %jit3A_23, %sign3A_35 : i32
    %sign3A_37 = arith.extui %sign3A_36 : i1 to i32
    %sign3A_38 = arith.subi %sign3A_34, %sign3A_37 : i32
    %ne3A_39 = arith.cmpi ne, %sign3A_31, %sign3A_38 : i32
    %rem3A_40 = arith.remsi %sub3A_22, %jit3A_23 : i32
    %ne3A_41 = arith.constant 0 : i32
    %ne3A_42 = arith.cmpi ne, %rem3A_40, %ne3A_41 : i32
    %and3A_43 = arith.andi %ne3A_39, %ne3A_42 : i1
    %sub3A_44 = arith.constant 1 : i32
    %sub3A_45 = arith.subi %div3A_24, %sub3A_44 : i32
    %select_n3A_46 = arith.select %and3A_43, %sub3A_45, %div3A_24 : i32
    %add3A_47 = arith.constant 1 : i32
    %add3A_48 = arith.addi %select_n3A, %add3A_47 : i32
    %mul3A_49 = arith.constant 16384 : i32
    %mul3A_50 = arith.muli %add3A_48, %mul3A_49 : i32
    %min3A = arith.minsi %add3A_4, %mul3A_50 : i32
    %dma_start3A = tpu.memref_slice %arg2[%mul3A_2] : memref<425984xi32, #tpu.memory_space<hbm>> -> memref<13312xi32, #tpu.memory_space<hbm>>
    %dma_start3A_51 = tpu.memref_slice %arg2[%mul3A_2] : memref<425984xi32, #tpu.memory_space<hbm>> -> memref<13312xi32, #tpu.memory_space<hbm>>
    tpu.enqueue_dma source(%dma_start3A_51 : memref<13312xi32, #tpu.memory_space<hbm>>) target(%arg7 : memref<13312xi32, #tpu.memory_space<vmem>>) target_semaphore(%arg14 : memref<!tpu.dma_semaphore, #tpu.memory_space<semaphore_mem>>)
    %dma_start3A_52 = tpu.memref_slice %arg3[%mul3A_2] : memref<425984xi32, #tpu.memory_space<hbm>> -> memref<13312xi32, #tpu.memory_space<hbm>>
    %dma_start3A_53 = tpu.memref_slice %arg3[%mul3A_2] : memref<425984xi32, #tpu.memory_space<hbm>> -> memref<13312xi32, #tpu.memory_space<hbm>>
    tpu.enqueue_dma source(%dma_start3A_53 : memref<13312xi32, #tpu.memory_space<hbm>>) target(%arg8 : memref<13312xi32, #tpu.memory_space<vmem>>) target_semaphore(%arg14 : memref<!tpu.dma_semaphore, #tpu.memory_space<semaphore_mem>>)
    %dma_start3A_54 = arith.constant 0 : i32
    %dma_start3A_55 = tpu.memref_slice %arg4[%select_n3A, %dma_start3A_54] : memref<26x16000xf32, #tpu.memory_space<hbm>> -> memref<1x16000xf32, #tpu.memory_space<hbm>>
    %dma_start3A_56 = tpu.memref_squeeze %dma_start3A_55 : memref<1x16000xf32, #tpu.memory_space<hbm>> -> memref<16000xf32, #tpu.memory_space<hbm>>
    %dma_start3A_57 = arith.constant 0 : i32
    %dma_start3A_58 = tpu.memref_slice %arg4[%select_n3A, %dma_start3A_57] : memref<26x16000xf32, #tpu.memory_space<hbm>> -> memref<1x16000xf32, #tpu.memory_space<hbm>>
    %dma_start3A_59 = tpu.memref_squeeze %dma_start3A_58 : memref<1x16000xf32, #tpu.memory_space<hbm>> -> memref<16000xf32, #tpu.memory_space<hbm>>
    tpu.enqueue_dma source(%dma_start3A_59 : memref<16000xf32, #tpu.memory_space<hbm>>) target(%arg9 : memref<16000xf32, #tpu.memory_space<vmem>>) target_semaphore(%arg14 : memref<!tpu.dma_semaphore, #tpu.memory_space<semaphore_mem>>)
    %dma_start3A_60 = arith.constant 0 : i32
    %dma_start3A_61 = tpu.memref_slice %arg5[%select_n3A, %dma_start3A_60] : memref<26x1000xf32, #tpu.memory_space<hbm>> -> memref<1x1000xf32, #tpu.memory_space<hbm>>
    %dma_start3A_62 = tpu.memref_squeeze %dma_start3A_61 : memref<1x1000xf32, #tpu.memory_space<hbm>> -> memref<1000xf32, #tpu.memory_space<hbm>>
    %dma_start3A_63 = arith.constant 0 : i32
    %dma_start3A_64 = tpu.memref_slice %arg5[%select_n3A, %dma_start3A_63] : memref<26x1000xf32, #tpu.memory_space<hbm>> -> memref<1x1000xf32, #tpu.memory_space<hbm>>
    %dma_start3A_65 = tpu.memref_squeeze %dma_start3A_64 : memref<1x1000xf32, #tpu.memory_space<hbm>> -> memref<1000xf32, #tpu.memory_space<hbm>>
    tpu.enqueue_dma source(%dma_start3A_65 : memref<1000xf32, #tpu.memory_space<hbm>>) target(%arg11 : memref<1000xf32, #tpu.memory_space<vmem>>) target_semaphore(%arg14 : memref<!tpu.dma_semaphore, #tpu.memory_space<semaphore_mem>>)
    %dma_start3A_66 = arith.constant 0 : i32
    %dma_start3A_67 = tpu.memref_slice %arg4[%select_n3A_46, %dma_start3A_66] : memref<26x16000xf32, #tpu.memory_space<hbm>> -> memref<1x16000xf32, #tpu.memory_space<hbm>>
    %dma_start3A_68 = tpu.memref_squeeze %dma_start3A_67 : memref<1x16000xf32, #tpu.memory_space<hbm>> -> memref<16000xf32, #tpu.memory_space<hbm>>
    %dma_start3A_69 = arith.constant 0 : i32
    %dma_start3A_70 = tpu.memref_slice %arg4[%select_n3A_46, %dma_start3A_69] : memref<26x16000xf32, #tpu.memory_space<hbm>> -> memref<1x16000xf32, #tpu.memory_space<hbm>>
    %dma_start3A_71 = tpu.memref_squeeze %dma_start3A_70 : memref<1x16000xf32, #tpu.memory_space<hbm>> -> memref<16000xf32, #tpu.memory_space<hbm>>
    tpu.enqueue_dma source(%dma_start3A_71 : memref<16000xf32, #tpu.memory_space<hbm>>) target(%arg10 : memref<16000xf32, #tpu.memory_space<vmem>>) target_semaphore(%arg15 : memref<!tpu.dma_semaphore, #tpu.memory_space<semaphore_mem>>)
    %dma_start3A_72 = arith.constant 0 : i32
    %dma_start3A_73 = tpu.memref_slice %arg5[%select_n3A_46, %dma_start3A_72] : memref<26x1000xf32, #tpu.memory_space<hbm>> -> memref<1x1000xf32, #tpu.memory_space<hbm>>
    %dma_start3A_74 = tpu.memref_squeeze %dma_start3A_73 : memref<1x1000xf32, #tpu.memory_space<hbm>> -> memref<1000xf32, #tpu.memory_space<hbm>>
    %dma_start3A_75 = arith.constant 0 : i32
    %dma_start3A_76 = tpu.memref_slice %arg5[%select_n3A_46, %dma_start3A_75] : memref<26x1000xf32, #tpu.memory_space<hbm>> -> memref<1x1000xf32, #tpu.memory_space<hbm>>
    %dma_start3A_77 = tpu.memref_squeeze %dma_start3A_76 : memref<1x1000xf32, #tpu.memory_space<hbm>> -> memref<1000xf32, #tpu.memory_space<hbm>>
    tpu.enqueue_dma source(%dma_start3A_77 : memref<1000xf32, #tpu.memory_space<hbm>>) target(%arg12 : memref<1000xf32, #tpu.memory_space<vmem>>) target_semaphore(%arg15 : memref<!tpu.dma_semaphore, #tpu.memory_space<semaphore_mem>>)
    %dma_wait3A = tpu.memref_slice %arg2[%mul3A_2] : memref<425984xi32, #tpu.memory_space<hbm>> -> memref<13312xi32, #tpu.memory_space<hbm>>
    %dma_wait3A_78 = tpu.memref_slice %arg2[%mul3A_2] : memref<425984xi32, #tpu.memory_space<hbm>> -> memref<13312xi32, #tpu.memory_space<hbm>>
    tpu.wait_dma2 semaphore(%arg14 : memref<!tpu.dma_semaphore, #tpu.memory_space<semaphore_mem>>) src(%dma_wait3A_78 : memref<13312xi32, #tpu.memory_space<hbm>>) dst(%arg7 : memref<13312xi32, #tpu.memory_space<vmem>>)
    %dma_wait3A_79 = tpu.memref_slice %arg3[%mul3A_2] : memref<425984xi32, #tpu.memory_space<hbm>> -> memref<13312xi32, #tpu.memory_space<hbm>>
    %dma_wait3A_80 = tpu.memref_slice %arg3[%mul3A_2] : memref<425984xi32, #tpu.memory_space<hbm>> -> memref<13312xi32, #tpu.memory_space<hbm>>
    tpu.wait_dma2 semaphore(%arg14 : memref<!tpu.dma_semaphore, #tpu.memory_space<semaphore_mem>>) src(%dma_wait3A_80 : memref<13312xi32, #tpu.memory_space<hbm>>) dst(%arg8 : memref<13312xi32, #tpu.memory_space<vmem>>)
    %dma_wait3A_81 = arith.constant 0 : i32
    %dma_wait3A_82 = tpu.memref_slice %arg4[%select_n3A, %dma_wait3A_81] : memref<26x16000xf32, #tpu.memory_space<hbm>> -> memref<1x16000xf32, #tpu.memory_space<hbm>>
    %dma_wait3A_83 = tpu.memref_squeeze %dma_wait3A_82 : memref<1x16000xf32, #tpu.memory_space<hbm>> -> memref<16000xf32, #tpu.memory_space<hbm>>
    %dma_wait3A_84 = arith.constant 0 : i32
    %dma_wait3A_85 = tpu.memref_slice %arg4[%select_n3A, %dma_wait3A_84] : memref<26x16000xf32, #tpu.memory_space<hbm>> -> memref<1x16000xf32, #tpu.memory_space<hbm>>
    %dma_wait3A_86 = tpu.memref_squeeze %dma_wait3A_85 : memref<1x16000xf32, #tpu.memory_space<hbm>> -> memref<16000xf32, #tpu.memory_space<hbm>>
    tpu.wait_dma2 semaphore(%arg14 : memref<!tpu.dma_semaphore, #tpu.memory_space<semaphore_mem>>) src(%dma_wait3A_86 : memref<16000xf32, #tpu.memory_space<hbm>>) dst(%arg9 : memref<16000xf32, #tpu.memory_space<vmem>>)
    %dma_wait3A_87 = arith.constant 0 : i32
    %dma_wait3A_88 = tpu.memref_slice %arg5[%select_n3A, %dma_wait3A_87] : memref<26x1000xf32, #tpu.memory_space<hbm>> -> memref<1x1000xf32, #tpu.memory_space<hbm>>
    %dma_wait3A_89 = tpu.memref_squeeze %dma_wait3A_88 : memref<1x1000xf32, #tpu.memory_space<hbm>> -> memref<1000xf32, #tpu.memory_space<hbm>>
    %dma_wait3A_90 = arith.constant 0 : i32
    %dma_wait3A_91 = tpu.memref_slice %arg5[%select_n3A, %dma_wait3A_90] : memref<26x1000xf32, #tpu.memory_space<hbm>> -> memref<1x1000xf32, #tpu.memory_space<hbm>>
    %dma_wait3A_92 = tpu.memref_squeeze %dma_wait3A_91 : memref<1x1000xf32, #tpu.memory_space<hbm>> -> memref<1000xf32, #tpu.memory_space<hbm>>
    tpu.wait_dma2 semaphore(%arg14 : memref<!tpu.dma_semaphore, #tpu.memory_space<semaphore_mem>>) src(%dma_wait3A_92 : memref<1000xf32, #tpu.memory_space<hbm>>) dst(%arg11 : memref<1000xf32, #tpu.memory_space<vmem>>)
    %sub3A_93 = arith.subi %min3A, %mul3A_2 : i32
    %add3A_94 = arith.constant 0 : i32
    %add3A_95 = arith.addi %add3A_94, %sub3A_93 : i32
    %parallel_loop3A = arith.constant 0 : i32
    %parallel_loop3A_96 = arith.constant 16 : i32
    scf.for %parallel_loop3A_113 = %parallel_loop3A to %add3A_95 step %parallel_loop3A_96  : i32 {
      %parallel_loop3A_114 = arith.index_cast %parallel_loop3A_113 : i32 to index
      %parallel_loop3A_115 = tpu.vector_load %arg7[%parallel_loop3A_114] {strides = array<i32>} : memref<13312xi32, #tpu.memory_space<vmem>>, vector<16xi32>,
      %parallel_loop3A_116 = arith.index_cast %parallel_loop3A_113 : i32 to index
      %parallel_loop3A_117 = tpu.vector_load %arg8[%parallel_loop3A_116] {strides = array<i32>} : memref<13312xi32, #tpu.memory_space<vmem>>, vector<16xi32>,
      %parallel_loop3A_118 = arith.constant 0.000000e+00 : f32
      %parallel_loop3A_119 = vector.broadcast %parallel_loop3A_118 : f32 to vector<16xf32>
      %parallel_loop3A_120 = arith.constant 0 : i32
      %parallel_loop3A_121 = vector.broadcast %parallel_loop3A_120 : i32 to vector<16xi32>
      %parallel_loop3A_122 = arith.addi %parallel_loop3A_115, %parallel_loop3A_121 : vector<16xi32>
      %parallel_loop3A_123 = tpu.vector_load_idx %arg9[%parallel_loop3A_122] : memref<16000xf32, #tpu.memory_space<vmem>>[vector<16xi32>], vector<16xf32>,
      %parallel_loop3A_124 = arith.constant 0 : i32
      %parallel_loop3A_125 = vector.broadcast %parallel_loop3A_124 : i32 to vector<16xi32>
      %parallel_loop3A_126 = arith.addi %parallel_loop3A_117, %parallel_loop3A_125 : vector<16xi32>
      %parallel_loop3A_127 = tpu.vector_load_idx %arg9[%parallel_loop3A_126] : memref<16000xf32, #tpu.memory_space<vmem>>[vector<16xi32>], vector<16xf32>,
      %parallel_loop3A_128 = arith.mulf %parallel_loop3A_123, %parallel_loop3A_123 : vector<16xf32>
      %parallel_loop3A_129 = arith.mulf %parallel_loop3A_127, %parallel_loop3A_127 : vector<16xf32>
      %parallel_loop3A_130 = arith.mulf %parallel_loop3A_128, %parallel_loop3A_129 : vector<16xf32>
      %parallel_loop3A_131 = arith.addf %parallel_loop3A_119, %parallel_loop3A_130 : vector<16xf32>
      %parallel_loop3A_132 = arith.constant 1000 : i32
      %parallel_loop3A_133 = vector.broadcast %parallel_loop3A_132 : i32 to vector<16xi32>
      %parallel_loop3A_134 = arith.addi %parallel_loop3A_115, %parallel_loop3A_133 : vector<16xi32>
      %parallel_loop3A_135 = tpu.vector_load_idx %arg9[%parallel_loop3A_134] : memref<16000xf32, #tpu.memory_space<vmem>>[vector<16xi32>], vector<16xf32>,
      %parallel_loop3A_136 = arith.constant 1000 : i32
      %parallel_loop3A_137 = vector.broadcast %parallel_loop3A_136 : i32 to vector<16xi32>
      %parallel_loop3A_138 = arith.addi %parallel_loop3A_117, %parallel_loop3A_137 : vector<16xi32>
      %parallel_loop3A_139 = tpu.vector_load_idx %arg9[%parallel_loop3A_138] : memref<16000xf32, #tpu.memory_space<vmem>>[vector<16xi32>], vector<16xf32>,
      %parallel_loop3A_140 = arith.mulf %parallel_loop3A_135, %parallel_loop3A_135 : vector<16xf32>
      %parallel_loop3A_141 = arith.mulf %parallel_loop3A_139, %parallel_loop3A_139 : vector<16xf32>
      %parallel_loop3A_142 = arith.mulf %parallel_loop3A_140, %parallel_loop3A_141 : vector<16xf32>
      %parallel_loop3A_143 = arith.addf %parallel_loop3A_131, %parallel_loop3A_142 : vector<16xf32>
      %parallel_loop3A_144 = arith.constant 2000 : i32
      %parallel_loop3A_145 = vector.broadcast %parallel_loop3A_144 : i32 to vector<16xi32>
      %parallel_loop3A_146 = arith.addi %parallel_loop3A_115, %parallel_loop3A_145 : vector<16xi32>
      %parallel_loop3A_147 = tpu.vector_load_idx %arg9[%parallel_loop3A_146] : memref<16000xf32, #tpu.memory_space<vmem>>[vector<16xi32>], vector<16xf32>,
      %parallel_loop3A_148 = arith.constant 2000 : i32
      %parallel_loop3A_149 = vector.broadcast %parallel_loop3A_148 : i32 to vector<16xi32>
      %parallel_loop3A_150 = arith.addi %parallel_loop3A_117, %parallel_loop3A_149 : vector<16xi32>
      %parallel_loop3A_151 = tpu.vector_load_idx %arg9[%parallel_loop3A_150] : memref<16000xf32, #tpu.memory_space<vmem>>[vector<16xi32>], vector<16xf32>,
      %parallel_loop3A_152 = arith.mulf %parallel_loop3A_147, %parallel_loop3A_147 : vector<16xf32>
      %parallel_loop3A_153 = arith.mulf %parallel_loop3A_151, %parallel_loop3A_151 : vector<16xf32>
      %parallel_loop3A_154 = arith.mulf %parallel_loop3A_152, %parallel_loop3A_153 : vector<16xf32>
      %parallel_loop3A_155 = arith.addf %parallel_loop3A_143, %parallel_loop3A_154 : vector<16xf32>
      %parallel_loop3A_156 = arith.constant 3000 : i32
      %parallel_loop3A_157 = vector.broadcast %parallel_loop3A_156 : i32 to vector<16xi32>
      %parallel_loop3A_158 = arith.addi %parallel_loop3A_115, %parallel_loop3A_157 : vector<16xi32>
      %parallel_loop3A_159 = tpu.vector_load_idx %arg9[%parallel_loop3A_158] : memref<16000xf32, #tpu.memory_space<vmem>>[vector<16xi32>], vector<16xf32>,
      %parallel_loop3A_160 = arith.constant 3000 : i32
      %parallel_loop3A_161 = vector.broadcast %parallel_loop3A_160 : i32 to vector<16xi32>
      %parallel_loop3A_162 = arith.addi %parallel_loop3A_117, %parallel_loop3A_161 : vector<16xi32>
      %parallel_loop3A_163 = tpu.vector_load_idx %arg9[%parallel_loop3A_162] : memref<16000xf32, #tpu.memory_space<vmem>>[vector<16xi32>], vector<16xf32>,
      %parallel_loop3A_164 = arith.mulf %parallel_loop3A_159, %parallel_loop3A_159 : vector<16xf32>
      %parallel_loop3A_165 = arith.mulf %parallel_loop3A_163, %parallel_loop3A_163 : vector<16xf32>
      %parallel_loop3A_166 = arith.mulf %parallel_loop3A_164, %parallel_loop3A_165 : vector<16xf32>
      %parallel_loop3A_167 = arith.addf %parallel_loop3A_155, %parallel_loop3A_166 : vector<16xf32>
      %parallel_loop3A_168 = arith.constant 4000 : i32
      %parallel_loop3A_169 = vector.broadcast %parallel_loop3A_168 : i32 to vector<16xi32>
      %parallel_loop3A_170 = arith.addi %parallel_loop3A_115, %parallel_loop3A_169 : vector<16xi32>
      %parallel_loop3A_171 = tpu.vector_load_idx %arg9[%parallel_loop3A_170] : memref<16000xf32, #tpu.memory_space<vmem>>[vector<16xi32>], vector<16xf32>,
      %parallel_loop3A_172 = arith.constant 4000 : i32
      %parallel_loop3A_173 = vector.broadcast %parallel_loop3A_172 : i32 to vector<16xi32>
      %parallel_loop3A_174 = arith.addi %parallel_loop3A_117, %parallel_loop3A_173 : vector<16xi32>
      %parallel_loop3A_175 = tpu.vector_load_idx %arg9[%parallel_loop3A_174] : memref<16000xf32, #tpu.memory_space<vmem>>[vector<16xi32>], vector<16xf32>,
      %parallel_loop3A_176 = arith.mulf %parallel_loop3A_171, %parallel_loop3A_171 : vector<16xf32>
      %parallel_loop3A_177 = arith.mulf %parallel_loop3A_175, %parallel_loop3A_175 : vector<16xf32>
      %parallel_loop3A_178 = arith.mulf %parallel_loop3A_176, %parallel_loop3A_177 : vector<16xf32>
      %parallel_loop3A_179 = arith.addf %parallel_loop3A_167, %parallel_loop3A_178 : vector<16xf32>
      %parallel_loop3A_180 = arith.constant 5000 : i32
      %parallel_loop3A_181 = vector.broadcast %parallel_loop3A_180 : i32 to vector<16xi32>
      %parallel_loop3A_182 = arith.addi %parallel_loop3A_115, %parallel_loop3A_181 : vector<16xi32>
      %parallel_loop3A_183 = tpu.vector_load_idx %arg9[%parallel_loop3A_182] : memref<16000xf32, #tpu.memory_space<vmem>>[vector<16xi32>], vector<16xf32>,
      %parallel_loop3A_184 = arith.constant 5000 : i32
      %parallel_loop3A_185 = vector.broadcast %parallel_loop3A_184 : i32 to vector<16xi32>
      %parallel_loop3A_186 = arith.addi %parallel_loop3A_117, %parallel_loop3A_185 : vector<16xi32>
      %parallel_loop3A_187 = tpu.vector_load_idx %arg9[%parallel_loop3A_186] : memref<16000xf32, #tpu.memory_space<vmem>>[vector<16xi32>], vector<16xf32>,
      %parallel_loop3A_188 = arith.mulf %parallel_loop3A_183, %parallel_loop3A_183 : vector<16xf32>
      %parallel_loop3A_189 = arith.mulf %parallel_loop3A_187, %parallel_loop3A_187 : vector<16xf32>
      %parallel_loop3A_190 = arith.mulf %parallel_loop3A_188, %parallel_loop3A_189 : vector<16xf32>
      %parallel_loop3A_191 = arith.addf %parallel_loop3A_179, %parallel_loop3A_190 : vector<16xf32>
      %parallel_loop3A_192 = arith.constant 6000 : i32
      %parallel_loop3A_193 = vector.broadcast %parallel_loop3A_192 : i32 to vector<16xi32>
      %parallel_loop3A_194 = arith.addi %parallel_loop3A_115, %parallel_loop3A_193 : vector<16xi32>
      %parallel_loop3A_195 = tpu.vector_load_idx %arg9[%parallel_loop3A_194] : memref<16000xf32, #tpu.memory_space<vmem>>[vector<16xi32>], vector<16xf32>,
      %parallel_loop3A_196 = arith.constant 6000 : i32
      %parallel_loop3A_197 = vector.broadcast %parallel_loop3A_196 : i32 to vector<16xi32>
      %parallel_loop3A_198 = arith.addi %parallel_loop3A_117, %parallel_loop3A_197 : vector<16xi32>
      %parallel_loop3A_199 = tpu.vector_load_idx %arg9[%parallel_loop3A_198] : memref<16000xf32, #tpu.memory_space<vmem>>[vector<16xi32>], vector<16xf32>,
      %parallel_loop3A_200 = arith.mulf %parallel_loop3A_195, %parallel_loop3A_195 : vector<16xf32>
      %parallel_loop3A_201 = arith.mulf %parallel_loop3A_199, %parallel_loop3A_199 : vector<16xf32>
      %parallel_loop3A_202 = arith.mulf %parallel_loop3A_200, %parallel_loop3A_201 : vector<16xf32>
      %parallel_loop3A_203 = arith.addf %parallel_loop3A_191, %parallel_loop3A_202 : vector<16xf32>
      %parallel_loop3A_204 = arith.constant 7000 : i32
      %parallel_loop3A_205 = vector.broadcast %parallel_loop3A_204 : i32 to vector<16xi32>
      %parallel_loop3A_206 = arith.addi %parallel_loop3A_115, %parallel_loop3A_205 : vector<16xi32>
      %parallel_loop3A_207 = tpu.vector_load_idx %arg9[%parallel_loop3A_206] : memref<16000xf32, #tpu.memory_space<vmem>>[vector<16xi32>], vector<16xf32>,
      %parallel_loop3A_208 = arith.constant 7000 : i32
      %parallel_loop3A_209 = vector.broadcast %parallel_loop3A_208 : i32 to vector<16xi32>
      %parallel_loop3A_210 = arith.addi %parallel_loop3A_117, %parallel_loop3A_209 : vector<16xi32>
      %parallel_loop3A_211 = tpu.vector_load_idx %arg9[%parallel_loop3A_210] : memref<16000xf32, #tpu.memory_space<vmem>>[vector<16xi32>], vector<16xf32>,
      %parallel_loop3A_212 = arith.mulf %parallel_loop3A_207, %parallel_loop3A_207 : vector<16xf32>
      %parallel_loop3A_213 = arith.mulf %parallel_loop3A_211, %parallel_loop3A_211 : vector<16xf32>
      %parallel_loop3A_214 = arith.mulf %parallel_loop3A_212, %parallel_loop3A_213 : vector<16xf32>
      %parallel_loop3A_215 = arith.addf %parallel_loop3A_203, %parallel_loop3A_214 : vector<16xf32>
      %parallel_loop3A_216 = arith.constant 8000 : i32
      %parallel_loop3A_217 = vector.broadcast %parallel_loop3A_216 : i32 to vector<16xi32>
      %parallel_loop3A_218 = arith.addi %parallel_loop3A_115, %parallel_loop3A_217 : vector<16xi32>
      %parallel_loop3A_219 = tpu.vector_load_idx %arg9[%parallel_loop3A_218] : memref<16000xf32, #tpu.memory_space<vmem>>[vector<16xi32>], vector<16xf32>,
      %parallel_loop3A_220 = arith.constant 8000 : i32
      %parallel_loop3A_221 = vector.broadcast %parallel_loop3A_220 : i32 to vector<16xi32>
      %parallel_loop3A_222 = arith.addi %parallel_loop3A_117, %parallel_loop3A_221 : vector<16xi32>
      %parallel_loop3A_223 = tpu.vector_load_idx %arg9[%parallel_loop3A_222] : memref<16000xf32, #tpu.memory_space<vmem>>[vector<16xi32>], vector<16xf32>,
      %parallel_loop3A_224 = arith.mulf %parallel_loop3A_219, %parallel_loop3A_219 : vector<16xf32>
      %parallel_loop3A_225 = arith.mulf %parallel_loop3A_223, %parallel_loop3A_223 : vector<16xf32>
      %parallel_loop3A_226 = arith.mulf %parallel_loop3A_224, %parallel_loop3A_225 : vector<16xf32>
      %parallel_loop3A_227 = arith.addf %parallel_loop3A_215, %parallel_loop3A_226 : vector<16xf32>
      %parallel_loop3A_228 = arith.constant 9000 : i32
      %parallel_loop3A_229 = vector.broadcast %parallel_loop3A_228 : i32 to vector<16xi32>
      %parallel_loop3A_230 = arith.addi %parallel_loop3A_115, %parallel_loop3A_229 : vector<16xi32>
      %parallel_loop3A_231 = tpu.vector_load_idx %arg9[%parallel_loop3A_230] : memref<16000xf32, #tpu.memory_space<vmem>>[vector<16xi32>], vector<16xf32>,
      %parallel_loop3A_232 = arith.constant 9000 : i32
      %parallel_loop3A_233 = vector.broadcast %parallel_loop3A_232 : i32 to vector<16xi32>
      %parallel_loop3A_234 = arith.addi %parallel_loop3A_117, %parallel_loop3A_233 : vector<16xi32>
      %parallel_loop3A_235 = tpu.vector_load_idx %arg9[%parallel_loop3A_234] : memref<16000xf32, #tpu.memory_space<vmem>>[vector<16xi32>], vector<16xf32>,
      %parallel_loop3A_236 = arith.mulf %parallel_loop3A_231, %parallel_loop3A_231 : vector<16xf32>
      %parallel_loop3A_237 = arith.mulf %parallel_loop3A_235, %parallel_loop3A_235 : vector<16xf32>
      %parallel_loop3A_238 = arith.mulf %parallel_loop3A_236, %parallel_loop3A_237 : vector<16xf32>
      %parallel_loop3A_239 = arith.addf %parallel_loop3A_227, %parallel_loop3A_238 : vector<16xf32>
      %parallel_loop3A_240 = arith.constant 10000 : i32
      %parallel_loop3A_241 = vector.broadcast %parallel_loop3A_240 : i32 to vector<16xi32>
      %parallel_loop3A_242 = arith.addi %parallel_loop3A_115, %parallel_loop3A_241 : vector<16xi32>
      %parallel_loop3A_243 = tpu.vector_load_idx %arg9[%parallel_loop3A_242] : memref<16000xf32, #tpu.memory_space<vmem>>[vector<16xi32>], vector<16xf32>,
      %parallel_loop3A_244 = arith.constant 10000 : i32
      %parallel_loop3A_245 = vector.broadcast %parallel_loop3A_244 : i32 to vector<16xi32>
      %parallel_loop3A_246 = arith.addi %parallel_loop3A_117, %parallel_loop3A_245 : vector<16xi32>
      %parallel_loop3A_247 = tpu.vector_load_idx %arg9[%parallel_loop3A_246] : memref<16000xf32, #tpu.memory_space<vmem>>[vector<16xi32>], vector<16xf32>,
      %parallel_loop3A_248 = arith.mulf %parallel_loop3A_243, %parallel_loop3A_243 : vector<16xf32>
      %parallel_loop3A_249 = arith.mulf %parallel_loop3A_247, %parallel_loop3A_247 : vector<16xf32>
      %parallel_loop3A_250 = arith.mulf %parallel_loop3A_248, %parallel_loop3A_249 : vector<16xf32>
      %parallel_loop3A_251 = arith.addf %parallel_loop3A_239, %parallel_loop3A_250 : vector<16xf32>
      %parallel_loop3A_252 = arith.constant 11000 : i32
      %parallel_loop3A_253 = vector.broadcast %parallel_loop3A_252 : i32 to vector<16xi32>
      %parallel_loop3A_254 = arith.addi %parallel_loop3A_115, %parallel_loop3A_253 : vector<16xi32>
      %parallel_loop3A_255 = tpu.vector_load_idx %arg9[%parallel_loop3A_254] : memref<16000xf32, #tpu.memory_space<vmem>>[vector<16xi32>], vector<16xf32>,
      %parallel_loop3A_256 = arith.constant 11000 : i32
      %parallel_loop3A_257 = vector.broadcast %parallel_loop3A_256 : i32 to vector<16xi32>
      %parallel_loop3A_258 = arith.addi %parallel_loop3A_117, %parallel_loop3A_257 : vector<16xi32>
      %parallel_loop3A_259 = tpu.vector_load_idx %arg9[%parallel_loop3A_258] : memref<16000xf32, #tpu.memory_space<vmem>>[vector<16xi32>], vector<16xf32>,
      %parallel_loop3A_260 = arith.mulf %parallel_loop3A_255, %parallel_loop3A_255 : vector<16xf32>
      %parallel_loop3A_261 = arith.mulf %parallel_loop3A_259, %parallel_loop3A_259 : vector<16xf32>
      %parallel_loop3A_262 = arith.mulf %parallel_loop3A_260, %parallel_loop3A_261 : vector<16xf32>
      %parallel_loop3A_263 = arith.addf %parallel_loop3A_251, %parallel_loop3A_262 : vector<16xf32>
      %parallel_loop3A_264 = arith.constant 12000 : i32
      %parallel_loop3A_265 = vector.broadcast %parallel_loop3A_264 : i32 to vector<16xi32>
      %parallel_loop3A_266 = arith.addi %parallel_loop3A_115, %parallel_loop3A_265 : vector<16xi32>
      %parallel_loop3A_267 = tpu.vector_load_idx %arg9[%parallel_loop3A_266] : memref<16000xf32, #tpu.memory_space<vmem>>[vector<16xi32>], vector<16xf32>,
      %parallel_loop3A_268 = arith.constant 12000 : i32
      %parallel_loop3A_269 = vector.broadcast %parallel_loop3A_268 : i32 to vector<16xi32>
      %parallel_loop3A_270 = arith.addi %parallel_loop3A_117, %parallel_loop3A_269 : vector<16xi32>
      %parallel_loop3A_271 = tpu.vector_load_idx %arg9[%parallel_loop3A_270] : memref<16000xf32, #tpu.memory_space<vmem>>[vector<16xi32>], vector<16xf32>,
      %parallel_loop3A_272 = arith.mulf %parallel_loop3A_267, %parallel_loop3A_267 : vector<16xf32>
      %parallel_loop3A_273 = arith.mulf %parallel_loop3A_271, %parallel_loop3A_271 : vector<16xf32>
      %parallel_loop3A_274 = arith.mulf %parallel_loop3A_272, %parallel_loop3A_273 : vector<16xf32>
      %parallel_loop3A_275 = arith.addf %parallel_loop3A_263, %parallel_loop3A_274 : vector<16xf32>
      %parallel_loop3A_276 = arith.constant 13000 : i32
      %parallel_loop3A_277 = vector.broadcast %parallel_loop3A_276 : i32 to vector<16xi32>
      %parallel_loop3A_278 = arith.addi %parallel_loop3A_115, %parallel_loop3A_277 : vector<16xi32>
      %parallel_loop3A_279 = tpu.vector_load_idx %arg9[%parallel_loop3A_278] : memref<16000xf32, #tpu.memory_space<vmem>>[vector<16xi32>], vector<16xf32>,
      %parallel_loop3A_280 = arith.constant 13000 : i32
      %parallel_loop3A_281 = vector.broadcast %parallel_loop3A_280 : i32 to vector<16xi32>
      %parallel_loop3A_282 = arith.addi %parallel_loop3A_117, %parallel_loop3A_281 : vector<16xi32>
      %parallel_loop3A_283 = tpu.vector_load_idx %arg9[%parallel_loop3A_282] : memref<16000xf32, #tpu.memory_space<vmem>>[vector<16xi32>], vector<16xf32>,
      %parallel_loop3A_284 = arith.mulf %parallel_loop3A_279, %parallel_loop3A_279 : vector<16xf32>
      %parallel_loop3A_285 = arith.mulf %parallel_loop3A_283, %parallel_loop3A_283 : vector<16xf32>
      %parallel_loop3A_286 = arith.mulf %parallel_loop3A_284, %parallel_loop3A_285 : vector<16xf32>
      %parallel_loop3A_287 = arith.addf %parallel_loop3A_275, %parallel_loop3A_286 : vector<16xf32>
      %parallel_loop3A_288 = arith.constant 14000 : i32
      %parallel_loop3A_289 = vector.broadcast %parallel_loop3A_288 : i32 to vector<16xi32>
      %parallel_loop3A_290 = arith.addi %parallel_loop3A_115, %parallel_loop3A_289 : vector<16xi32>
      %parallel_loop3A_291 = tpu.vector_load_idx %arg9[%parallel_loop3A_290] : memref<16000xf32, #tpu.memory_space<vmem>>[vector<16xi32>], vector<16xf32>,
      %parallel_loop3A_292 = arith.constant 14000 : i32
      %parallel_loop3A_293 = vector.broadcast %parallel_loop3A_292 : i32 to vector<16xi32>
      %parallel_loop3A_294 = arith.addi %parallel_loop3A_117, %parallel_loop3A_293 : vector<16xi32>
      %parallel_loop3A_295 = tpu.vector_load_idx %arg9[%parallel_loop3A_294] : memref<16000xf32, #tpu.memory_space<vmem>>[vector<16xi32>], vector<16xf32>,
      %parallel_loop3A_296 = arith.mulf %parallel_loop3A_291, %parallel_loop3A_291 : vector<16xf32>
      %parallel_loop3A_297 = arith.mulf %parallel_loop3A_295, %parallel_loop3A_295 : vector<16xf32>
      %parallel_loop3A_298 = arith.mulf %parallel_loop3A_296, %parallel_loop3A_297 : vector<16xf32>
      %parallel_loop3A_299 = arith.addf %parallel_loop3A_287, %parallel_loop3A_298 : vector<16xf32>
      %parallel_loop3A_300 = arith.constant 15000 : i32
      %parallel_loop3A_301 = vector.broadcast %parallel_loop3A_300 : i32 to vector<16xi32>
      %parallel_loop3A_302 = arith.addi %parallel_loop3A_115, %parallel_loop3A_301 : vector<16xi32>
      %parallel_loop3A_303 = tpu.vector_load_idx %arg9[%parallel_loop3A_302] : memref<16000xf32, #tpu.memory_space<vmem>>[vector<16xi32>], vector<16xf32>,
      %parallel_loop3A_304 = arith.constant 15000 : i32
      %parallel_loop3A_305 = vector.broadcast %parallel_loop3A_304 : i32 to vector<16xi32>
      %parallel_loop3A_306 = arith.addi %parallel_loop3A_117, %parallel_loop3A_305 : vector<16xi32>
      %parallel_loop3A_307 = tpu.vector_load_idx %arg9[%parallel_loop3A_306] : memref<16000xf32, #tpu.memory_space<vmem>>[vector<16xi32>], vector<16xf32>,
      %parallel_loop3A_308 = arith.mulf %parallel_loop3A_303, %parallel_loop3A_303 : vector<16xf32>
      %parallel_loop3A_309 = arith.mulf %parallel_loop3A_307, %parallel_loop3A_307 : vector<16xf32>
      %parallel_loop3A_310 = arith.mulf %parallel_loop3A_308, %parallel_loop3A_309 : vector<16xf32>
      %parallel_loop3A_311 = arith.addf %parallel_loop3A_299, %parallel_loop3A_310 : vector<16xf32>
      %parallel_loop3A_312 = tpu.vector_load_idx %arg11[%parallel_loop3A_115] : memref<1000xf32, #tpu.memory_space<vmem>>[vector<16xi32>], vector<16xf32>,
      %parallel_loop3A_313 = arith.cmpi eq, %parallel_loop3A_115, %parallel_loop3A_117 : vector<16xi32>
      %parallel_loop3A_314 = arith.mulf %parallel_loop3A_312, %parallel_loop3A_312 : vector<16xf32>
      %parallel_loop3A_315 = arith.constant 0.000000e+00 : f32
      %parallel_loop3A_316 = vector.broadcast %parallel_loop3A_315 : f32 to vector<16xf32>
      %parallel_loop3A_317 = arith.select %parallel_loop3A_313, %parallel_loop3A_314, %parallel_loop3A_316 : vector<16xi1>, vector<16xf32>
      %parallel_loop3A_318 = arith.addf %parallel_loop3A_311, %parallel_loop3A_317 : vector<16xf32>
      %parallel_loop3A_319 = arith.index_cast %parallel_loop3A_113 : i32 to index
      %parallel_loop3A_320 = tpu.vector_load %arg13[%parallel_loop3A_319] {strides = array<i32>} : memref<13312xf32, #tpu.memory_space<vmem>>, vector<16xf32>,
      tpu.vector_store %arg13[%parallel_loop3A_319], %parallel_loop3A_318 {strides = array<i32>} : memref<13312xf32, #tpu.memory_space<vmem>>, vector<16xf32>,
    } {sc.loop_unroll_factor = 4 : i64, sc.parallel_access}
    %dma_wait3A_97 = arith.constant 0 : i32
    %dma_wait3A_98 = tpu.memref_slice %arg4[%select_n3A_46, %dma_wait3A_97] : memref<26x16000xf32, #tpu.memory_space<hbm>> -> memref<1x16000xf32, #tpu.memory_space<hbm>>
    %dma_wait3A_99 = tpu.memref_squeeze %dma_wait3A_98 : memref<1x16000xf32, #tpu.memory_space<hbm>> -> memref<16000xf32, #tpu.memory_space<hbm>>
    %dma_wait3A_100 = arith.constant 0 : i32
    %dma_wait3A_101 = tpu.memref_slice %arg4[%select_n3A_46, %dma_wait3A_100] : memref<26x16000xf32, #tpu.memory_space<hbm>> -> memref<1x16000xf32, #tpu.memory_space<hbm>>
    %dma_wait3A_102 = tpu.memref_squeeze %dma_wait3A_101 : memref<1x16000xf32, #tpu.memory_space<hbm>> -> memref<16000xf32, #tpu.memory_space<hbm>>
    tpu.wait_dma2 semaphore(%arg15 : memref<!tpu.dma_semaphore, #tpu.memory_space<semaphore_mem>>) src(%dma_wait3A_102 : memref<16000xf32, #tpu.memory_space<hbm>>) dst(%arg10 : memref<16000xf32, #tpu.memory_space<vmem>>)
    %dma_wait3A_103 = arith.constant 0 : i32
    %dma_wait3A_104 = tpu.memref_slice %arg5[%select_n3A_46, %dma_wait3A_103] : memref<26x1000xf32, #tpu.memory_space<hbm>> -> memref<1x1000xf32, #tpu.memory_space<hbm>>
    %dma_wait3A_105 = tpu.memref_squeeze %dma_wait3A_104 : memref<1x1000xf32, #tpu.memory_space<hbm>> -> memref<1000xf32, #tpu.memory_space<hbm>>
    %dma_wait3A_106 = arith.constant 0 : i32
    %dma_wait3A_107 = tpu.memref_slice %arg5[%select_n3A_46, %dma_wait3A_106] : memref<26x1000xf32, #tpu.memory_space<hbm>> -> memref<1x1000xf32, #tpu.memory_space<hbm>>
    %dma_wait3A_108 = tpu.memref_squeeze %dma_wait3A_107 : memref<1x1000xf32, #tpu.memory_space<hbm>> -> memref<1000xf32, #tpu.memory_space<hbm>>
    tpu.wait_dma2 semaphore(%arg15 : memref<!tpu.dma_semaphore, #tpu.memory_space<semaphore_mem>>) src(%dma_wait3A_108 : memref<1000xf32, #tpu.memory_space<hbm>>) dst(%arg12 : memref<1000xf32, #tpu.memory_space<vmem>>)
    %sub3A_109 = arith.subi %min3A, %mul3A_2 : i32
    %sub3A_110 = arith.subi %add3A_4, %min3A : i32
    %add3A_111 = arith.addi %sub3A_109, %sub3A_110 : i32
    %parallel_loop3A_112 = arith.constant 16 : i32
    scf.for %parallel_loop3A_113 = %sub3A_109 to %add3A_111 step %parallel_loop3A_112  : i32 {
      %parallel_loop3A_114 = arith.index_cast %parallel_loop3A_113 : i32 to index
      %parallel_loop3A_115 = tpu.vector_load %arg7[%parallel_loop3A_114] {strides = array<i32>} : memref<13312xi32, #tpu.memory_space<vmem>>, vector<16xi32>,
      %parallel_loop3A_116 = arith.index_cast %parallel_loop3A_113 : i32 to index
      %parallel_loop3A_117 = tpu.vector_load %arg8[%parallel_loop3A_116] {strides = array<i32>} : memref<13312xi32, #tpu.memory_space<vmem>>, vector<16xi32>,
      %parallel_loop3A_118 = arith.constant 0.000000e+00 : f32
      %parallel_loop3A_119 = vector.broadcast %parallel_loop3A_118 : f32 to vector<16xf32>
      %parallel_loop3A_120 = arith.constant 0 : i32
      %parallel_loop3A_121 = vector.broadcast %parallel_loop3A_120 : i32 to vector<16xi32>
      %parallel_loop3A_122 = arith.addi %parallel_loop3A_115, %parallel_loop3A_121 : vector<16xi32>
      %parallel_loop3A_123 = tpu.vector_load_idx %arg10[%parallel_loop3A_122] : memref<16000xf32, #tpu.memory_space<vmem>>[vector<16xi32>], vector<16xf32>,
      %parallel_loop3A_124 = arith.constant 0 : i32
      %parallel_loop3A_125 = vector.broadcast %parallel_loop3A_124 : i32 to vector<16xi32>
      %parallel_loop3A_126 = arith.addi %parallel_loop3A_117, %parallel_loop3A_125 : vector<16xi32>
      %parallel_loop3A_127 = tpu.vector_load_idx %arg10[%parallel_loop3A_126] : memref<16000xf32, #tpu.memory_space<vmem>>[vector<16xi32>], vector<16xf32>,
      %parallel_loop3A_128 = arith.mulf %parallel_loop3A_123, %parallel_loop3A_123 : vector<16xf32>
      %parallel_loop3A_129 = arith.mulf %parallel_loop3A_127, %parallel_loop3A_127 : vector<16xf32>
      %parallel_loop3A_130 = arith.mulf %parallel_loop3A_128, %parallel_loop3A_129 : vector<16xf32>
      %parallel_loop3A_131 = arith.addf %parallel_loop3A_119, %parallel_loop3A_130 : vector<16xf32>
      %parallel_loop3A_132 = arith.constant 1000 : i32
      %parallel_loop3A_133 = vector.broadcast %parallel_loop3A_132 : i32 to vector<16xi32>
      %parallel_loop3A_134 = arith.addi %parallel_loop3A_115, %parallel_loop3A_133 : vector<16xi32>
      %parallel_loop3A_135 = tpu.vector_load_idx %arg10[%parallel_loop3A_134] : memref<16000xf32, #tpu.memory_space<vmem>>[vector<16xi32>], vector<16xf32>,
      %parallel_loop3A_136 = arith.constant 1000 : i32
      %parallel_loop3A_137 = vector.broadcast %parallel_loop3A_136 : i32 to vector<16xi32>
      %parallel_loop3A_138 = arith.addi %parallel_loop3A_117, %parallel_loop3A_137 : vector<16xi32>
      %parallel_loop3A_139 = tpu.vector_load_idx %arg10[%parallel_loop3A_138] : memref<16000xf32, #tpu.memory_space<vmem>>[vector<16xi32>], vector<16xf32>,
      %parallel_loop3A_140 = arith.mulf %parallel_loop3A_135, %parallel_loop3A_135 : vector<16xf32>
      %parallel_loop3A_141 = arith.mulf %parallel_loop3A_139, %parallel_loop3A_139 : vector<16xf32>
      %parallel_loop3A_142 = arith.mulf %parallel_loop3A_140, %parallel_loop3A_141 : vector<16xf32>
      %parallel_loop3A_143 = arith.addf %parallel_loop3A_131, %parallel_loop3A_142 : vector<16xf32>
      %parallel_loop3A_144 = arith.constant 2000 : i32
      %parallel_loop3A_145 = vector.broadcast %parallel_loop3A_144 : i32 to vector<16xi32>
      %parallel_loop3A_146 = arith.addi %parallel_loop3A_115, %parallel_loop3A_145 : vector<16xi32>
      %parallel_loop3A_147 = tpu.vector_load_idx %arg10[%parallel_loop3A_146] : memref<16000xf32, #tpu.memory_space<vmem>>[vector<16xi32>], vector<16xf32>,
      %parallel_loop3A_148 = arith.constant 2000 : i32
      %parallel_loop3A_149 = vector.broadcast %parallel_loop3A_148 : i32 to vector<16xi32>
      %parallel_loop3A_150 = arith.addi %parallel_loop3A_117, %parallel_loop3A_149 : vector<16xi32>
      %parallel_loop3A_151 = tpu.vector_load_idx %arg10[%parallel_loop3A_150] : memref<16000xf32, #tpu.memory_space<vmem>>[vector<16xi32>], vector<16xf32>,
      %parallel_loop3A_152 = arith.mulf %parallel_loop3A_147, %parallel_loop3A_147 : vector<16xf32>
      %parallel_loop3A_153 = arith.mulf %parallel_loop3A_151, %parallel_loop3A_151 : vector<16xf32>
      %parallel_loop3A_154 = arith.mulf %parallel_loop3A_152, %parallel_loop3A_153 : vector<16xf32>
      %parallel_loop3A_155 = arith.addf %parallel_loop3A_143, %parallel_loop3A_154 : vector<16xf32>
      %parallel_loop3A_156 = arith.constant 3000 : i32
      %parallel_loop3A_157 = vector.broadcast %parallel_loop3A_156 : i32 to vector<16xi32>
      %parallel_loop3A_158 = arith.addi %parallel_loop3A_115, %parallel_loop3A_157 : vector<16xi32>
      %parallel_loop3A_159 = tpu.vector_load_idx %arg10[%parallel_loop3A_158] : memref<16000xf32, #tpu.memory_space<vmem>>[vector<16xi32>], vector<16xf32>,
      %parallel_loop3A_160 = arith.constant 3000 : i32
      %parallel_loop3A_161 = vector.broadcast %parallel_loop3A_160 : i32 to vector<16xi32>
      %parallel_loop3A_162 = arith.addi %parallel_loop3A_117, %parallel_loop3A_161 : vector<16xi32>
      %parallel_loop3A_163 = tpu.vector_load_idx %arg10[%parallel_loop3A_162] : memref<16000xf32, #tpu.memory_space<vmem>>[vector<16xi32>], vector<16xf32>,
      %parallel_loop3A_164 = arith.mulf %parallel_loop3A_159, %parallel_loop3A_159 : vector<16xf32>
      %parallel_loop3A_165 = arith.mulf %parallel_loop3A_163, %parallel_loop3A_163 : vector<16xf32>
      %parallel_loop3A_166 = arith.mulf %parallel_loop3A_164, %parallel_loop3A_165 : vector<16xf32>
      %parallel_loop3A_167 = arith.addf %parallel_loop3A_155, %parallel_loop3A_166 : vector<16xf32>
      %parallel_loop3A_168 = arith.constant 4000 : i32
      %parallel_loop3A_169 = vector.broadcast %parallel_loop3A_168 : i32 to vector<16xi32>
      %parallel_loop3A_170 = arith.addi %parallel_loop3A_115, %parallel_loop3A_169 : vector<16xi32>
      %parallel_loop3A_171 = tpu.vector_load_idx %arg10[%parallel_loop3A_170] : memref<16000xf32, #tpu.memory_space<vmem>>[vector<16xi32>], vector<16xf32>,
      %parallel_loop3A_172 = arith.constant 4000 : i32
      %parallel_loop3A_173 = vector.broadcast %parallel_loop3A_172 : i32 to vector<16xi32>
      %parallel_loop3A_174 = arith.addi %parallel_loop3A_117, %parallel_loop3A_173 : vector<16xi32>
      %parallel_loop3A_175 = tpu.vector_load_idx %arg10[%parallel_loop3A_174] : memref<16000xf32, #tpu.memory_space<vmem>>[vector<16xi32>], vector<16xf32>,
      %parallel_loop3A_176 = arith.mulf %parallel_loop3A_171, %parallel_loop3A_171 : vector<16xf32>
      %parallel_loop3A_177 = arith.mulf %parallel_loop3A_175, %parallel_loop3A_175 : vector<16xf32>
      %parallel_loop3A_178 = arith.mulf %parallel_loop3A_176, %parallel_loop3A_177 : vector<16xf32>
      %parallel_loop3A_179 = arith.addf %parallel_loop3A_167, %parallel_loop3A_178 : vector<16xf32>
      %parallel_loop3A_180 = arith.constant 5000 : i32
      %parallel_loop3A_181 = vector.broadcast %parallel_loop3A_180 : i32 to vector<16xi32>
      %parallel_loop3A_182 = arith.addi %parallel_loop3A_115, %parallel_loop3A_181 : vector<16xi32>
      %parallel_loop3A_183 = tpu.vector_load_idx %arg10[%parallel_loop3A_182] : memref<16000xf32, #tpu.memory_space<vmem>>[vector<16xi32>], vector<16xf32>,
      %parallel_loop3A_184 = arith.constant 5000 : i32
      %parallel_loop3A_185 = vector.broadcast %parallel_loop3A_184 : i32 to vector<16xi32>
      %parallel_loop3A_186 = arith.addi %parallel_loop3A_117, %parallel_loop3A_185 : vector<16xi32>
      %parallel_loop3A_187 = tpu.vector_load_idx %arg10[%parallel_loop3A_186] : memref<16000xf32, #tpu.memory_space<vmem>>[vector<16xi32>], vector<16xf32>,
      %parallel_loop3A_188 = arith.mulf %parallel_loop3A_183, %parallel_loop3A_183 : vector<16xf32>
      %parallel_loop3A_189 = arith.mulf %parallel_loop3A_187, %parallel_loop3A_187 : vector<16xf32>
      %parallel_loop3A_190 = arith.mulf %parallel_loop3A_188, %parallel_loop3A_189 : vector<16xf32>
      %parallel_loop3A_191 = arith.addf %parallel_loop3A_179, %parallel_loop3A_190 : vector<16xf32>
      %parallel_loop3A_192 = arith.constant 6000 : i32
      %parallel_loop3A_193 = vector.broadcast %parallel_loop3A_192 : i32 to vector<16xi32>
      %parallel_loop3A_194 = arith.addi %parallel_loop3A_115, %parallel_loop3A_193 : vector<16xi32>
      %parallel_loop3A_195 = tpu.vector_load_idx %arg10[%parallel_loop3A_194] : memref<16000xf32, #tpu.memory_space<vmem>>[vector<16xi32>], vector<16xf32>,
      %parallel_loop3A_196 = arith.constant 6000 : i32
      %parallel_loop3A_197 = vector.broadcast %parallel_loop3A_196 : i32 to vector<16xi32>
      %parallel_loop3A_198 = arith.addi %parallel_loop3A_117, %parallel_loop3A_197 : vector<16xi32>
      %parallel_loop3A_199 = tpu.vector_load_idx %arg10[%parallel_loop3A_198] : memref<16000xf32, #tpu.memory_space<vmem>>[vector<16xi32>], vector<16xf32>,
      %parallel_loop3A_200 = arith.mulf %parallel_loop3A_195, %parallel_loop3A_195 : vector<16xf32>
      %parallel_loop3A_201 = arith.mulf %parallel_loop3A_199, %parallel_loop3A_199 : vector<16xf32>
      %parallel_loop3A_202 = arith.mulf %parallel_loop3A_200, %parallel_loop3A_201 : vector<16xf32>
      %parallel_loop3A_203 = arith.addf %parallel_loop3A_191, %parallel_loop3A_202 : vector<16xf32>
      %parallel_loop3A_204 = arith.constant 7000 : i32
      %parallel_loop3A_205 = vector.broadcast %parallel_loop3A_204 : i32 to vector<16xi32>
      %parallel_loop3A_206 = arith.addi %parallel_loop3A_115, %parallel_loop3A_205 : vector<16xi32>
      %parallel_loop3A_207 = tpu.vector_load_idx %arg10[%parallel_loop3A_206] : memref<16000xf32, #tpu.memory_space<vmem>>[vector<16xi32>], vector<16xf32>,
      %parallel_loop3A_208 = arith.constant 7000 : i32
      %parallel_loop3A_209 = vector.broadcast %parallel_loop3A_208 : i32 to vector<16xi32>
      %parallel_loop3A_210 = arith.addi %parallel_loop3A_117, %parallel_loop3A_209 : vector<16xi32>
      %parallel_loop3A_211 = tpu.vector_load_idx %arg10[%parallel_loop3A_210] : memref<16000xf32, #tpu.memory_space<vmem>>[vector<16xi32>], vector<16xf32>,
      %parallel_loop3A_212 = arith.mulf %parallel_loop3A_207, %parallel_loop3A_207 : vector<16xf32>
      %parallel_loop3A_213 = arith.mulf %parallel_loop3A_211, %parallel_loop3A_211 : vector<16xf32>
      %parallel_loop3A_214 = arith.mulf %parallel_loop3A_212, %parallel_loop3A_213 : vector<16xf32>
      %parallel_loop3A_215 = arith.addf %parallel_loop3A_203, %parallel_loop3A_214 : vector<16xf32>
      %parallel_loop3A_216 = arith.constant 8000 : i32
      %parallel_loop3A_217 = vector.broadcast %parallel_loop3A_216 : i32 to vector<16xi32>
      %parallel_loop3A_218 = arith.addi %parallel_loop3A_115, %parallel_loop3A_217 : vector<16xi32>
      %parallel_loop3A_219 = tpu.vector_load_idx %arg10[%parallel_loop3A_218] : memref<16000xf32, #tpu.memory_space<vmem>>[vector<16xi32>], vector<16xf32>,
      %parallel_loop3A_220 = arith.constant 8000 : i32
      %parallel_loop3A_221 = vector.broadcast %parallel_loop3A_220 : i32 to vector<16xi32>
      %parallel_loop3A_222 = arith.addi %parallel_loop3A_117, %parallel_loop3A_221 : vector<16xi32>
      %parallel_loop3A_223 = tpu.vector_load_idx %arg10[%parallel_loop3A_222] : memref<16000xf32, #tpu.memory_space<vmem>>[vector<16xi32>], vector<16xf32>,
      %parallel_loop3A_224 = arith.mulf %parallel_loop3A_219, %parallel_loop3A_219 : vector<16xf32>
      %parallel_loop3A_225 = arith.mulf %parallel_loop3A_223, %parallel_loop3A_223 : vector<16xf32>
      %parallel_loop3A_226 = arith.mulf %parallel_loop3A_224, %parallel_loop3A_225 : vector<16xf32>
      %parallel_loop3A_227 = arith.addf %parallel_loop3A_215, %parallel_loop3A_226 : vector<16xf32>
      %parallel_loop3A_228 = arith.constant 9000 : i32
      %parallel_loop3A_229 = vector.broadcast %parallel_loop3A_228 : i32 to vector<16xi32>
      %parallel_loop3A_230 = arith.addi %parallel_loop3A_115, %parallel_loop3A_229 : vector<16xi32>
      %parallel_loop3A_231 = tpu.vector_load_idx %arg10[%parallel_loop3A_230] : memref<16000xf32, #tpu.memory_space<vmem>>[vector<16xi32>], vector<16xf32>,
      %parallel_loop3A_232 = arith.constant 9000 : i32
      %parallel_loop3A_233 = vector.broadcast %parallel_loop3A_232 : i32 to vector<16xi32>
      %parallel_loop3A_234 = arith.addi %parallel_loop3A_117, %parallel_loop3A_233 : vector<16xi32>
      %parallel_loop3A_235 = tpu.vector_load_idx %arg10[%parallel_loop3A_234] : memref<16000xf32, #tpu.memory_space<vmem>>[vector<16xi32>], vector<16xf32>,
      %parallel_loop3A_236 = arith.mulf %parallel_loop3A_231, %parallel_loop3A_231 : vector<16xf32>
      %parallel_loop3A_237 = arith.mulf %parallel_loop3A_235, %parallel_loop3A_235 : vector<16xf32>
      %parallel_loop3A_238 = arith.mulf %parallel_loop3A_236, %parallel_loop3A_237 : vector<16xf32>
      %parallel_loop3A_239 = arith.addf %parallel_loop3A_227, %parallel_loop3A_238 : vector<16xf32>
      %parallel_loop3A_240 = arith.constant 10000 : i32
      %parallel_loop3A_241 = vector.broadcast %parallel_loop3A_240 : i32 to vector<16xi32>
      %parallel_loop3A_242 = arith.addi %parallel_loop3A_115, %parallel_loop3A_241 : vector<16xi32>
      %parallel_loop3A_243 = tpu.vector_load_idx %arg10[%parallel_loop3A_242] : memref<16000xf32, #tpu.memory_space<vmem>>[vector<16xi32>], vector<16xf32>,
      %parallel_loop3A_244 = arith.constant 10000 : i32
      %parallel_loop3A_245 = vector.broadcast %parallel_loop3A_244 : i32 to vector<16xi32>
      %parallel_loop3A_246 = arith.addi %parallel_loop3A_117, %parallel_loop3A_245 : vector<16xi32>
      %parallel_loop3A_247 = tpu.vector_load_idx %arg10[%parallel_loop3A_246] : memref<16000xf32, #tpu.memory_space<vmem>>[vector<16xi32>], vector<16xf32>,
      %parallel_loop3A_248 = arith.mulf %parallel_loop3A_243, %parallel_loop3A_243 : vector<16xf32>
      %parallel_loop3A_249 = arith.mulf %parallel_loop3A_247, %parallel_loop3A_247 : vector<16xf32>
      %parallel_loop3A_250 = arith.mulf %parallel_loop3A_248, %parallel_loop3A_249 : vector<16xf32>
      %parallel_loop3A_251 = arith.addf %parallel_loop3A_239, %parallel_loop3A_250 : vector<16xf32>
      %parallel_loop3A_252 = arith.constant 11000 : i32
      %parallel_loop3A_253 = vector.broadcast %parallel_loop3A_252 : i32 to vector<16xi32>
      %parallel_loop3A_254 = arith.addi %parallel_loop3A_115, %parallel_loop3A_253 : vector<16xi32>
      %parallel_loop3A_255 = tpu.vector_load_idx %arg10[%parallel_loop3A_254] : memref<16000xf32, #tpu.memory_space<vmem>>[vector<16xi32>], vector<16xf32>,
      %parallel_loop3A_256 = arith.constant 11000 : i32
      %parallel_loop3A_257 = vector.broadcast %parallel_loop3A_256 : i32 to vector<16xi32>
      %parallel_loop3A_258 = arith.addi %parallel_loop3A_117, %parallel_loop3A_257 : vector<16xi32>
      %parallel_loop3A_259 = tpu.vector_load_idx %arg10[%parallel_loop3A_258] : memref<16000xf32, #tpu.memory_space<vmem>>[vector<16xi32>], vector<16xf32>,
      %parallel_loop3A_260 = arith.mulf %parallel_loop3A_255, %parallel_loop3A_255 : vector<16xf32>
      %parallel_loop3A_261 = arith.mulf %parallel_loop3A_259, %parallel_loop3A_259 : vector<16xf32>
      %parallel_loop3A_262 = arith.mulf %parallel_loop3A_260, %parallel_loop3A_261 : vector<16xf32>
      %parallel_loop3A_263 = arith.addf %parallel_loop3A_251, %parallel_loop3A_262 : vector<16xf32>
      %parallel_loop3A_264 = arith.constant 12000 : i32
      %parallel_loop3A_265 = vector.broadcast %parallel_loop3A_264 : i32 to vector<16xi32>
      %parallel_loop3A_266 = arith.addi %parallel_loop3A_115, %parallel_loop3A_265 : vector<16xi32>
      %parallel_loop3A_267 = tpu.vector_load_idx %arg10[%parallel_loop3A_266] : memref<16000xf32, #tpu.memory_space<vmem>>[vector<16xi32>], vector<16xf32>,
      %parallel_loop3A_268 = arith.constant 12000 : i32
      %parallel_loop3A_269 = vector.broadcast %parallel_loop3A_268 : i32 to vector<16xi32>
      %parallel_loop3A_270 = arith.addi %parallel_loop3A_117, %parallel_loop3A_269 : vector<16xi32>
      %parallel_loop3A_271 = tpu.vector_load_idx %arg10[%parallel_loop3A_270] : memref<16000xf32, #tpu.memory_space<vmem>>[vector<16xi32>], vector<16xf32>,
      %parallel_loop3A_272 = arith.mulf %parallel_loop3A_267, %parallel_loop3A_267 : vector<16xf32>
      %parallel_loop3A_273 = arith.mulf %parallel_loop3A_271, %parallel_loop3A_271 : vector<16xf32>
      %parallel_loop3A_274 = arith.mulf %parallel_loop3A_272, %parallel_loop3A_273 : vector<16xf32>
      %parallel_loop3A_275 = arith.addf %parallel_loop3A_263, %parallel_loop3A_274 : vector<16xf32>
      %parallel_loop3A_276 = arith.constant 13000 : i32
      %parallel_loop3A_277 = vector.broadcast %parallel_loop3A_276 : i32 to vector<16xi32>
      %parallel_loop3A_278 = arith.addi %parallel_loop3A_115, %parallel_loop3A_277 : vector<16xi32>
      %parallel_loop3A_279 = tpu.vector_load_idx %arg10[%parallel_loop3A_278] : memref<16000xf32, #tpu.memory_space<vmem>>[vector<16xi32>], vector<16xf32>,
      %parallel_loop3A_280 = arith.constant 13000 : i32
      %parallel_loop3A_281 = vector.broadcast %parallel_loop3A_280 : i32 to vector<16xi32>
      %parallel_loop3A_282 = arith.addi %parallel_loop3A_117, %parallel_loop3A_281 : vector<16xi32>
      %parallel_loop3A_283 = tpu.vector_load_idx %arg10[%parallel_loop3A_282] : memref<16000xf32, #tpu.memory_space<vmem>>[vector<16xi32>], vector<16xf32>,
      %parallel_loop3A_284 = arith.mulf %parallel_loop3A_279, %parallel_loop3A_279 : vector<16xf32>
      %parallel_loop3A_285 = arith.mulf %parallel_loop3A_283, %parallel_loop3A_283 : vector<16xf32>
      %parallel_loop3A_286 = arith.mulf %parallel_loop3A_284, %parallel_loop3A_285 : vector<16xf32>
      %parallel_loop3A_287 = arith.addf %parallel_loop3A_275, %parallel_loop3A_286 : vector<16xf32>
      %parallel_loop3A_288 = arith.constant 14000 : i32
      %parallel_loop3A_289 = vector.broadcast %parallel_loop3A_288 : i32 to vector<16xi32>
      %parallel_loop3A_290 = arith.addi %parallel_loop3A_115, %parallel_loop3A_289 : vector<16xi32>
      %parallel_loop3A_291 = tpu.vector_load_idx %arg10[%parallel_loop3A_290] : memref<16000xf32, #tpu.memory_space<vmem>>[vector<16xi32>], vector<16xf32>,
      %parallel_loop3A_292 = arith.constant 14000 : i32
      %parallel_loop3A_293 = vector.broadcast %parallel_loop3A_292 : i32 to vector<16xi32>
      %parallel_loop3A_294 = arith.addi %parallel_loop3A_117, %parallel_loop3A_293 : vector<16xi32>
      %parallel_loop3A_295 = tpu.vector_load_idx %arg10[%parallel_loop3A_294] : memref<16000xf32, #tpu.memory_space<vmem>>[vector<16xi32>], vector<16xf32>,
      %parallel_loop3A_296 = arith.mulf %parallel_loop3A_291, %parallel_loop3A_291 : vector<16xf32>
      %parallel_loop3A_297 = arith.mulf %parallel_loop3A_295, %parallel_loop3A_295 : vector<16xf32>
      %parallel_loop3A_298 = arith.mulf %parallel_loop3A_296, %parallel_loop3A_297 : vector<16xf32>
      %parallel_loop3A_299 = arith.addf %parallel_loop3A_287, %parallel_loop3A_298 : vector<16xf32>
      %parallel_loop3A_300 = arith.constant 15000 : i32
      %parallel_loop3A_301 = vector.broadcast %parallel_loop3A_300 : i32 to vector<16xi32>
      %parallel_loop3A_302 = arith.addi %parallel_loop3A_115, %parallel_loop3A_301 : vector<16xi32>
      %parallel_loop3A_303 = tpu.vector_load_idx %arg10[%parallel_loop3A_302] : memref<16000xf32, #tpu.memory_space<vmem>>[vector<16xi32>], vector<16xf32>,
      %parallel_loop3A_304 = arith.constant 15000 : i32
      %parallel_loop3A_305 = vector.broadcast %parallel_loop3A_304 : i32 to vector<16xi32>
      %parallel_loop3A_306 = arith.addi %parallel_loop3A_117, %parallel_loop3A_305 : vector<16xi32>
      %parallel_loop3A_307 = tpu.vector_load_idx %arg10[%parallel_loop3A_306] : memref<16000xf32, #tpu.memory_space<vmem>>[vector<16xi32>], vector<16xf32>,
      %parallel_loop3A_308 = arith.mulf %parallel_loop3A_303, %parallel_loop3A_303 : vector<16xf32>
      %parallel_loop3A_309 = arith.mulf %parallel_loop3A_307, %parallel_loop3A_307 : vector<16xf32>
      %parallel_loop3A_310 = arith.mulf %parallel_loop3A_308, %parallel_loop3A_309 : vector<16xf32>
      %parallel_loop3A_311 = arith.addf %parallel_loop3A_299, %parallel_loop3A_310 : vector<16xf32>
      %parallel_loop3A_312 = tpu.vector_load_idx %arg12[%parallel_loop3A_115] : memref<1000xf32, #tpu.memory_space<vmem>>[vector<16xi32>], vector<16xf32>,
      %parallel_loop3A_313 = arith.cmpi eq, %parallel_loop3A_115, %parallel_loop3A_117 : vector<16xi32>
      %parallel_loop3A_314 = arith.mulf %parallel_loop3A_312, %parallel_loop3A_312 : vector<16xf32>
      %parallel_loop3A_315 = arith.constant 0.000000e+00 : f32
      %parallel_loop3A_316 = vector.broadcast %parallel_loop3A_315 : f32 to vector<16xf32>
      %parallel_loop3A_317 = arith.select %parallel_loop3A_313, %parallel_loop3A_314, %parallel_loop3A_316 : vector<16xi1>, vector<16xf32>
      %parallel_loop3A_318 = arith.addf %parallel_loop3A_311, %parallel_loop3A_317 : vector<16xf32>
      %parallel_loop3A_319 = arith.index_cast %parallel_loop3A_113 : i32 to index
      %parallel_loop3A_320 = tpu.vector_load %arg13[%parallel_loop3A_319] {strides = array<i32>} : memref<13312xf32, #tpu.memory_space<vmem>>, vector<16xf32>,
      tpu.vector_store %arg13[%parallel_loop3A_319], %parallel_loop3A_318 {strides = array<i32>} : memref<13312xf32, #tpu.memory_space<vmem>>, vector<16xf32>,
    } {sc.loop_unroll_factor = 4 : i64, sc.parallel_access}
    "tpu.region"() ({
      %run_scoped3A = tpu.sem_alloc : memref<!tpu.dma_semaphore, #tpu.memory_space<semaphore_mem>>
      %dma_start3A_113 = tpu.memref_slice %arg6[%mul3A_2] : memref<425984xf32, #tpu.memory_space<hbm>> -> memref<13312xf32, #tpu.memory_space<hbm>>
      %dma_start3A_114 = tpu.memref_slice %arg6[%mul3A_2] : memref<425984xf32, #tpu.memory_space<hbm>> -> memref<13312xf32, #tpu.memory_space<hbm>>
      tpu.enqueue_dma source(%arg13 : memref<13312xf32, #tpu.memory_space<vmem>>) target(%dma_start3A_114 : memref<13312xf32, #tpu.memory_space<hbm>>) target_semaphore(%run_scoped3A : memref<!tpu.dma_semaphore, #tpu.memory_space<semaphore_mem>>)
      %dma_wait3A_115 = tpu.memref_slice %arg6[%mul3A_2] : memref<425984xf32, #tpu.memory_space<hbm>> -> memref<13312xf32, #tpu.memory_space<hbm>>
      %dma_wait3A_116 = tpu.memref_slice %arg6[%mul3A_2] : memref<425984xf32, #tpu.memory_space<hbm>> -> memref<13312xf32, #tpu.memory_space<hbm>>
      tpu.wait_dma2 semaphore(%run_scoped3A : memref<!tpu.dma_semaphore, #tpu.memory_space<semaphore_mem>>) src(%arg13 : memref<13312xf32, #tpu.memory_space<vmem>>) dst(%dma_wait3A_116 : memref<13312xf32, #tpu.memory_space<hbm>>)
      tpu.yield
    }) : () -> ()
    return
  }
}

</mosaic_0001>

<sc_bundles>
// kernel: _sc_call.3.cloned.1.call-start
scs
__scs_entry_jumppad:
0x0: {  	(pc) =	sbr.rel $0x88, $3  }
0x1: {  	(tag) =	ssettag $0x0;
	lr =	simm.s32 $0x1  }
0x2: {  	[smem:$0x3F9D] =	sst lr;
	_ =	strace $0xD0000000  }
0x3: {  	_ = 	snop  }
0x4: {  	_ = 	snop  }
0x5: {  	_ = 	snop  }
0x6: {  	_ = 	snop  }
0x7: {  	_ = 	snop  }
__scs_overlays_trampoline_lowered:
0x8: {  	[smem:$0x3FAC] =	sst s0  }
0x9: {  	[smem:$0x3FAD] =	sst s1  }
0xa: {  	[smem:$0x3FAE] =	sst s2  }
0xb: {  	[smem:$0x3FAF] =	sst s3  }
0xc: {  	[smem:$0x3FB0] =	sst s4  }
0xd: {  	[smem:$0x3FB1] =	sst s5  }
0xe: {  	[smem:$0x3FB2] =	sst s6  }
0xf: {  	[smem:$0x3FB3] =	sst s7  }
0x10: {  	[smem:$0x3FB4] =	sst s8  }
0x11: {  	[smem:$0x3FB5] =	sst s9;
	s0 =	simm.s32 @!p0 $0x0  }
0x12: {  	s1 =	sld [smem:$0x3F9B];
	s0 =	simm.s32 @p0 $0x1  }
0x13: {  	[smem:$0x3FB6] =	sst s0;
	s0 =	simm.s32 @!p1 $0x0  }
0x14: {  	s2 =	sld [smem:$0x3F9A];
	s0 =	simm.s32 @p1 $0x1  }
0x15: {  	[smem:$0x3FB7] =	sst s0;
	s0 =	simm.s32 @!p2 $0x0  }
0x16: {  	s3 =	sld [smem:$0x3FDB];
	s0 =	simm.s32 @p2 $0x1  }
0x17: {  	s4 =	simm.s32 $0x1BF5;
	[smem:$0x3FB9] =	sst s0  }
0x18: {  	s0 =	sld [smem:$0x3F9C];
	_ =	swait.ge [sflag:s4], $0x0  }
0x19: {  	s7 =	sld [smem:$0x3F9D]  }
0x1a: {  	s8 =	sadd.s32 $0xFFFFE003, lr  }
0x1b: {  	s9 =	sadd.s32 $0xFFFFFEF7, lr;
	s5 =	simm.s32 $0xFFFFFFFF;
	p2 =	slt.u32 s8, $0xFFFFF086  }
0x1c: {  	p1 =	slt.u32 s9, $0xF7A;
	s5 =	simm.s32 @!p2 $0x0  }
0x1d: {  	s5 =	simm.s32 @p1 $0x1;
	p0 =	seq.s32 s7, s2  }
0x1e: {  	s7 =	smul.u32 @!p0 $0xF7A, s2;
	p2 =	seq.s32 @!p0 s5, $0x0  }
0x1f: {  	s9 =	smul.u32 $0xF7A, s1;
	s8 =	simm.s32 @!p0 $0x1BF5;
	p2 =	por !p2, p0  }
0x20: {  	[sflag:s8] =	ssyncset.s32 @!p0 $0xFFFFF086;
	s6 =	sadd.s32 @!p0 s3, s7;
	s7 =	simm.s32 @!p0 $0x108  }
0x21: {  	s3 =	sadd.s32 s3, s9;
	s6 =	sadd.s32 @!p0 $0x88, s6;
	s7 =	simm.s32 @p2 $0x1082  }
0x22: {  	[simem:s7], [sflag:s8] =	dma.local @!p0 [hbm:s6], $0xF7A  }
0x23: {  	s9 =	sor.u32 $0xD0000000, s2;
	s6 =	simm.s32 $0x108;
	_ =	swait.ge @!p0 [sflag:s8], $0x0  }
0x24: {  	s3 =	sadd.s32 $0x88, s3;
	s6 =	simm.s32 @!p1 $0x1082;
	[sflag:s4] =	ssyncset.s32 $0xFFFFF086  }
0x25: {  	[simem:s6], [sflag:s4] =	dma.local [hbm:s3], $0xF7A  }
0x26: {  	[smem:$0x3F9D] =	sst s1;
	(tag) =	ssettag s2;
	_ =	strace s9  }
0x27: {  	s1 =	sld [smem:$0x3FAD]  }
0x28: {  	s2 =	sld [smem:$0x3FAE]  }
0x29: {  	s4 =	sld [smem:$0x3FB0]  }
0x2a: {  	p0 =	seq.s32 s5, $0x0;
	s5 =	sld [smem:$0x3FB1]  }
0x2b: {  	s6 =	sld [smem:$0x3FB2]  }
0x2c: {  	s7 =	sld [smem:$0x3FB3]  }
0x2d: {  	s3 =	simm.s32 $0x108;
	s8 =	sld [smem:$0x3FB4]  }
0x2e: {  	s3 =	simm.s32 @!p0 $0x1082;
	s9 =	sld [smem:$0x3FB5]  }
0x2f: {  	lr =	sadd.s32 s0, s3;
	s0 =	sld [smem:$0x3FAC]  }
0x30: {  	s3 =	sld [smem:$0x3FAF]  }
0x31: {  	[smem:$0x3FB8] =	sst s10  }
0x32: {  	s10 =	sld [smem:$0x3FB6];
	_ =	sdelay $0x3  }
0x33: {  	p0 =	seq.s32 s10, $0x1;
	s10 =	sld [smem:$0x3FB8];
	_ =	sdelay $0x3  }
0x34: {  	[smem:$0x3FB8] =	sst s10  }
0x35: {  	s10 =	sld [smem:$0x3FB7];
	_ =	sdelay $0x3  }
0x36: {  	p1 =	seq.s32 s10, $0x1;
	s10 =	sld [smem:$0x3FB8];
	_ =	sdelay $0x3  }
0x37: {  	[smem:$0x3FB8] =	sst s10  }
0x38: {  	s10 =	sld [smem:$0x3FB9]  }
0x39: {  	_ = 	snop;
	(pc) =	sbr.ind lr, $3  }
0x3a: {  	_ = 	snop  }
0x3b: {  	_ = 	snop  }
0x3c: {  	p2 =	seq.s32 s10, $0x1;
	s10 =	sld [smem:$0x3FB8]  }
0x3d: {  	_ =	shalt  }
0x3e: {  	_ =	shalt  }
0x3f: {  	_ =	shalt  }
0x40: {  	_ =	shalt  }
0x41: {  	_ =	shalt  }
0x42: {  	_ =	shalt  }
0x43: {  	_ =	shalt  }
0x44: {  	_ =	shalt  }
0x45: {  	_ =	shalt  }
0x46: {  	_ =	shalt  }
0x47: {  	_ =	shalt  }
0x48: {  	_ =	shalt  }
0x49: {  	_ =	shalt  }
0x4a: {  	_ =	shalt  }
0x4b: {  	_ =	shalt  }
0x4c: {  	_ =	shalt  }
0x4d: {  	_ =	shalt  }
0x4e: {  	_ =	shalt  }
0x4f: {  	_ =	shalt  }
0x50: {  	_ =	shalt  }
0x51: {  	_ =	shalt  }
0x52: {  	_ =	shalt  }
0x53: {  	_ =	shalt  }
0x54: {  	_ =	shalt  }
0x55: {  	_ =	shalt  }
0x56: {  	_ =	shalt  }
0x57: {  	_ =	shalt  }
0x58: {  	_ =	shalt  }
0x59: {  	_ =	shalt  }
0x5a: {  	_ =	shalt  }
0x5b: {  	_ =	shalt  }
0x5c: {  	_ =	shalt  }
0x5d: {  	_ =	shalt  }
0x5e: {  	_ =	shalt  }
0x5f: {  	_ =	shalt  }
0x60: {  	_ =	shalt  }
0x61: {  	_ =	shalt  }
0x62: {  	_ =	shalt  }
0x63: {  	_ =	shalt  }
0x64: {  	_ =	shalt  }
0x65: {  	_ =	shalt  }
0x66: {  	_ =	shalt  }
0x67: {  	_ =	shalt  }
0x68: {  	_ =	shalt  }
0x69: {  	_ =	shalt  }
0x6a: {  	_ =	shalt  }
0x6b: {  	_ =	shalt  }
0x6c: {  	_ =	shalt  }
0x6d: {  	_ =	shalt  }
0x6e: {  	_ =	shalt  }
0x6f: {  	_ =	shalt  }
0x70: {  	_ =	shalt  }
0x71: {  	_ =	shalt  }
0x72: {  	_ =	shalt  }
0x73: {  	_ =	shalt  }
0x74: {  	_ =	shalt  }
0x75: {  	_ =	shalt  }
0x76: {  	_ =	shalt  }
0x77: {  	_ =	shalt  }
0x78: {  	_ =	shalt  }
0x79: {  	_ =	shalt  }
0x7a: {  	_ =	shalt  }
0x7b: {  	_ =	shalt  }
0x7c: {  	_ =	shalt  }
0x7d: {  	_ =	shalt  }
0x7e: {  	_ =	shalt  }
0x7f: {  	_ =	shalt  }
0x80: {  	_ =	shalt  }
0x81: {  	_ =	shalt  }
0x82: {  	_ =	shalt  }
0x83: {  	_ =	shalt  }
0x84: {  	_ =	shalt  }
0x85: {  	_ =	shalt  }
0x86: {  	_ =	shalt  }
0x87: {  	_ =	shalt  }
.Lfunc_end0:
.L_simem_size_0:
called_computation_lowered:
.L_overlay_start_0:
0x88: {  	s2 =	sld [smem:$0x3FD9]  }
0x89: {  	s3 =	sld [smem:$0x3FFE];
	_ =	sdelay $0x1  }
0x8a: {  	s1 =	srdreg.scid  }
0x8b: {  	s0 =	sand.u32 $0x1, s1  }
0x8c: {  	s18 =	sshll.u32 s0, $0xA;
	s2 =	sadd.s32 s3, s2  }
0x8d: {  	s2 =	sadd.s32 s2, s18  }
0x8e: {  	[smem:$0x3FC4] =	sst s2  }
0x8f: {  	_ = 	snop  }
0x90: {  	s2 =	sld [smem:$0x3FC9]  }
0x91: {  	s19 =	sld [smem:$0x3FC8]  }
0x92: {  	s4 =	sld [smem:$0x3FC7]  }
0x93: {  	s5 =	sld [smem:$0x3FC6]  }
0x94: {  	s6 =	sld [smem:$0x3FD0];
	(tm) =	ssettm $0x1  }
0x95: {  	s7 =	sld [smem:$0x3FFB];
	_ =	sdelay $0x3  }
0x96: {  	_ =	strace s7  }
0x97: {  	s7 =	sld [smem:$0x3FFC];
	_ =	sdelay $0x3  }
0x98: {  	_ =	strace s7  }
0x99: {  	s7 =	sld [smem:$0x3FFD];
	_ =	sdelay $0x3  }
0x9a: {  	_ =	strace s7  }
0x9b: {  	_ =	strace $0x8FFFFFFF  }
0x9c: {  	s20 =	sld [smem:$0x3FDB];
	_ =	sdelay $0x1  }
0x9d: {  	s8 =	simm.s32 $_scs_section_size  }
0x9e: {  	s9 =	simm.s32 $_size__tile_overlayer_lowered;
	s10 =	simm.s32 $_tile_overlayer_lowered  }
0x9f: {  	s23 =	simm.s32 $0x1BFF;
	s22 =	sshll.u32 s10, $0x1;
	s7 =	sadd.s32 s8, s20  }
0xa0: {  	s11 =	simm.s32 $0x0;
	s21 =	sshll.u32 s9, $0x1;
	s9 =	sadd.s32 s22, s7  }
0xa1: {  	[timem:s11], [sflag:s23] =	dma.local [hbm:s9], s21  }
0xa2: {  	_ =	swait.ge [sflag:s23], s21  }
0xa3: {  	s8 =	ssub.s32 $0x0, s21;
	[sflag:s23] =	ssyncset.done $0x0  }
0xa4: {  	[sflag:s23] =	ssyncadd.s32 s8;
	_ =	sdelay $0x1  }
0xa5: {  	s24 =	simm.s32 $0x1B8B  }
0xa6: {  	_ =	swait.ge [sflag:s24], $0x1  }
0xa7: {  	[sflag:s24] =	ssyncset.done $0x0  }
0xa8: {  	s25 =	simm.s32 $0x1B8E;
	[sflag:s24] =	ssyncadd.s32 $0xFFFFFFFF  }
0xa9: {  	s26 =	simm.s32 $execute0_lowered;
	[smem:$0x3FD2] =	sst s25  }
0xaa: {  	s8 =	sshll.u32 s26, $0x1;
	_ =	strace $0x80000046;
	[dreg:$0x1] =	wrdreg $0xFFFFFFFF  }
0xab: {  	s28 =	simm.s32 $_size_execute0_lowered;
	s7 =	sadd.s32 s7, s8;
	[dreg:$0x0] =	wrdreg $0x0  }
0xac: {  	s8 =	sshll.u32 s28, $0x1;
	[dreg:$0x2] =	wrdreg s7  }
0xad: {  	[dreg:$0x3] =	wrdreg s8  }
0xae: {  	[dreg:$0x4] =	wrdreg $0xC0  }
0xaf: {  	_ =	task [dreg:s11], $0x5FFFF  }
0xb0: {  	[dreg:$0x1] =	wrdreg $0xFFFFFFFF  }
0xb1: {  	[dreg:$0x0] =	wrdreg $0x60  }
0xb2: {  	[dreg:$0x2] =	wrdreg s2  }
0xb3: {  	[dreg:$0x3] =	wrdreg s19  }
0xb4: {  	[dreg:$0x4] =	wrdreg s4  }
0xb5: {  	[dreg:$0x5] =	wrdreg s5  }
0xb6: {  	[dreg:$0x6] =	wrdreg s6  }
0xb7: {  	[dreg:$0x7] =	wrdreg $0x9  }
0xb8: {  	_ =	task.clear_ibuf [dreg:s11], $0x8FFFF;
	_ =	strace $0x90000046  }
0xb9: {  	s29 =	simm.s32 $0x9;
	_ =	strace $0x80000048  }
0xba: {  	_ =	swait.ge [sflag:s29], $0x1  }
0xbb: {  	[sflag:s29] =	ssyncadd.s32 $0xFFFFFFFF  }
0xbc: {  	_ =	strace $0x90000048  }
0xbd: {  	_ =	sfence  }
0xbe: {  	s30 =	sld [smem:$0x0];
	_ =	sdelay $0x2  }
0xbf: {  	s31 =	sshll.u32 s1, $0xD;
	s1 =	sshrl.u32 s1, $0x2  }
0xc0: {  	s3 =	sand.u32 $0x4000, s31;
	s1 =	sadd.s32 s1, s30  }
0xc1: {  	s0 =	sor.u32 s3, s0;
	s1 =	sshll.u32 s1, $0x11  }
0xc2: {  	s0 =	sor.u32 s1, s0  }
0xc3: {  	s0 =	sadd.s32 $0x8F2B, s0  }
0xc4: {  	[sflag:s0] =	ssyncadd.remote.s32 $0x1  }
0xc5: {  	_ =	sfence.sel $0xFFFF  }
0xc6: {  	[dreg:$0x0] =	wrdreg $0xFFFFFFFF;
	(pc) =	sbr.abs _section_cstart, $3  }
0xc7: {  	[dreg:$0x1] =	wrdreg $0xFFFFFFFF  }
0xc8: {  	_ =	task.clear_ibuf [dreg:s11], $0x2FFFF;
	_ =	strace $0x9FFFFFFF  }
0xc9: {  	(tm) =	ssettm $0x7FFFFFFF  }
tec
execute0_lowered:
.L_overlay_start_1:
0x0: {  	(tag) =	ssettag $0x1  }
0x1: {  	s0 =	rddreg [dreg:$0x0]  }
0x2: {  	s1 =	rddreg [dreg:$0x1]  }
0x3: {  	s7 =	rddreg [dreg:$0x2]  }
0x4: {  	s8 =	rddreg [dreg:$0x3];
	s2 =	srdreg.scid  }
0x5: {  	s17 =	stileid.u32;
	s10 =	rddreg [dreg:$0x4]  }
0x6: {  	s28 =	simm.s32 $0x0;
	s4 =	sand.u32 $0x1, s2;
	s16 =	sshll.u32 s17, $0x1  }
0x7: {  	s2 =	simm.s32 $0x0;
	s22 =	smul.u32 $0x6800, s17;
	s17 =	simm.s32 $0x80  }
0x8: {  	s3 =	sor.u32 s4, s16;
	s5 =	ssub.s32 $0x2, s4;
	s23 =	smul.u32 $0x3400, s4  }
0x9: {  	[smem:$0x7FF] =	sst s2;
	s9 =	smul.u32 $0x3400, s3;
	s18 =	sshrl.u32 s5, $0x1  }
0xa: {  	_ =	strace $0x80000047;
	s12 =	ssub.s32 s5, s18;
	s26 =	sadd.s32 s23, s22  }
0xb: {  	s19 =	sadd.s32 $0x3400, s9;
	s11 =	sadd.s32 $0x3000, s9;
	s20 =	sand.u32 $0x7C000, s9  }
0xc: {  	s6 =	sshrl.u32 s9, $0x11;
	s14 =	sshrl.u32 s9, $0x7;
	s16 =	sshrl.u32 s9, $0x3  }
0xd: {  	s18 =	sand.u32 $0xFC000, s26;
	s12 =	smax.u32 s12, $0x1;
	s5 =	sadd.s32 $0x4000, s20  }
0xe: {  	s13 =	smul.u32 $0x1F400, s6;
	s14 =	sand.u32 $0x380, s14;
	s3 =	sadd.s32 s0, s16  }
0xf: {  	s6 =	sshll.u32 s6, $0xD;
	s4 =	sadd.s32 s1, s16;
	s25 =	sshrl.u32 s11, $0x11  }
0x10: {  	s11 =	sshrl.u32 s11, $0x7;
	s18 =	sadd.s32 $0x4000, s18;
	s10 =	sadd.s32 s10, s16  }
0x11: {  	s16 =	simm.s32 $0x3400;
	s20 =	simm.s32 $0xE500;
	s15 =	smin.u32 s19, s5  }
0x12: {  	s24 =	sor.u32 s14, s6;
	s29 =	smul.u32 $0x1F400, s25;
	s11 =	sand.u32 $0x380, s11  }
0x13: {  	s1 =	sshll.u32 s25, $0xD;
	s19 =	simm.s32 $0x6800;
	s25 =	simm.s32 $0xED00  }
0x14: {  	s21 =	sor.u32 s14, s13;
	s14 =	sadd.s32 $0x3400, s26;
	s1 =	sor.u32 s11, s1  }
0x15: {  	s9 =	ssub.s32 s15, s9;
	s26 =	simm.s32 $0x3;
	s0 =	sshrl.u32 s21, $0x3  }
0x16: {  	s14 =	smin.u32 s14, s18;
	s1 =	sshrl.u32 s1, $0x3;
	p0 =	slt.s32 s9, $0x1  }
0x17: {  	s18 =	simm.s32 $0x400;
	s21 =	simm.s32 $0xA680;
	p1 =	slt.s32 s9, $0x3400  }
0x18: {  	s5 =	sadd.s32 s7, s0;
	s0 =	sshrl.u32 s24, $0x3;
	s30 =	ssub.s32 s14, s23  }
.Ltmp0:
0x19: {  	s23 =	simm.s32 $0x1;
	s24 =	simm.s32 $0x2;
	(pc) =	sbr.rel .LBB2_1-.Ltmp0, $4  }
0x1a: {  	s6 =	sadd.s32 s8, s0;
	s0 =	sor.u32 s11, s29;
	s13 =	ssub.s32 s30, s22  }
0x1b: {  	s8 =	sadd.s32 s8, s1;
	s22 =	simm.s32 $0xE900;
	s31 =	sshll.u32 s13, $0x2  }
0x1c: {  	s0 =	sshrl.u32 s0, $0x3;
	s13 =	sadd.s32 $0xFFFFFFC0, s13;
	s11 =	sshra.s32 s31, $0x2  }
0x1d: {  	s7 =	sadd.s32 s7, s0;
	s1 =	sadd.s32 $0x3400, s11;
	s0 =	sadd.s32 $0xED00, s11  }
.LBB2_8:
0x1e: {  	v0 =	vmul.f32 v14, v10;
	v1 =	vmul.f32 v3, v3  }
0x1f: {  	v58 =	vmul.f32 v4, v4;
	v59 =	vmul.f32 v5, v5  }
0x20: {  	v60 =	vadd.f32 v15, v7;
	v2 =	vmul.f32 v2, v2;
	v1 =	vmul.f32 v1, v9  }
0x21: {  	v61 =	vmul.f32 v12, v12;
	v0 =	vadd.f32 v0, v6;
	v3 =	vmul.f32 v59, v58  }
0x22: {  	v62 =	vmul.f32 v8, v8;
	v2 =	vnsel vm1, $0x0, v2;
	v1 =	vadd.f32 v1, v11  }
0x23: {  	v6 =	vnsel vm2, $0x0, v61;
	v3 =	vadd.f32 v3, v60;
	v0 =	vadd.f32 v2, v0  }
0x24: {  	v63 =	vnsel vm0, $0x0, v62;
	v1 =	vadd.f32 v6, v1  }
0x25: {  	v2 =	vadd.f32 v63, v3;
	[tilespmem:s29+$0x0] =	vst v0  }
0x26: {  	[tilespmem:s29+$0x10] =	vst v1  }
0x27: {  	[tilespmem:s29+$0x20] =	vst v2  }
.LBB2_9:
0x28: {  	s28 =	sadd.s32 $0x1, s28  }
0x29: {  	p2 =	sne.s32 s28, s12  }
.Ltmp1:
0x2a: {  	_ = 	snop;
	(pc) =	sbr.rel @!p2 .LBB2_10-.Ltmp1, $4  }
0x2b: {  	[hbm4b:s10+s2] =	stream.linear.scatter [tilespmem:s25], [sflag:$0x3], $0x3400, $0x38;
	[tilespmem:$0x12100] =	vst v63  }
0x2c: {  	_ =	swait.ge [sflag:s26], $0x3400  }
0x2d: {  	[sflag:s26] =	ssyncset.done $0x0  }
0x2e: {  	[sflag:s26] =	ssyncadd.s32 $0xFFFFCC00  }
.LBB2_1:
0x2f: {  	[tilespmem:s2], [sflag:$0x1] =	stream.linear.gather [hbm4b:s3+s2], $0x3400, $0x38;
	[tilespmem:$0x12100] =	vst v63  }
0x30: {  	_ = 	snop  }
0x31: {  	[tilespmem:s16], [sflag:$0x1] =	stream.linear.gather [hbm4b:s4+s2], $0x3400, $0x38;
	[tilespmem:$0x12100] =	vst v63  }
0x32: {  	_ = 	snop  }
0x33: {  	[tilespmem:s19], [sflag:$0x1] =	stream.strided.gather [hbm4b:s5+s17], $0x3E80, s18, s17, $0x38;
	[tilespmem:$0x12100] =	vst v63  }
0x34: {  	_ = 	snop  }
0x35: {  	[tilespmem:s20], [sflag:$0x1] =	stream.strided.gather [hbm4b:s6+s17], $0x400, s18, s17, $0x38;
	[tilespmem:$0x12100] =	vst v63  }
0x36: {  	_ = 	snop  }
0x37: {  	[tilespmem:s21], [sflag:$0x2] =	stream.strided.gather [hbm4b:s7+s17], $0x3E80, s18, s17, $0x38;
	[tilespmem:$0x12100] =	vst v63  }
0x38: {  	_ = 	snop  }
0x39: {  	[tilespmem:s22], [sflag:$0x2] =	stream.strided.gather [hbm4b:s8+s17], $0x400, s18, s17, $0x38;
	[tilespmem:$0x12100] =	vst v63  }
0x3a: {  	_ =	swait.ge [sflag:s23], $0x3400  }
0x3b: {  	[sflag:s23] =	ssyncset.done $0x0  }
0x3c: {  	[sflag:s23] =	ssyncadd.s32 $0xFFFFCC00  }
0x3d: {  	_ =	swait.ge [sflag:s23], $0x3400  }
0x3e: {  	[sflag:s23] =	ssyncset.done $0x0  }
0x3f: {  	[sflag:s23] =	ssyncadd.s32 $0xFFFFCC00  }
0x40: {  	_ =	swait.ge [sflag:s23], $0x3E80  }
.Ltmp2:
0x41: {  	[sflag:s23] =	ssyncset.done $0x0;
	(pc) =	sbr.rel @p0 .LBB2_5-.Ltmp2, $4  }
0x42: {  	[sflag:s23] =	ssyncadd.s32 $0xFFFFC180  }
0x43: {  	_ =	swait.ge [sflag:s23], $0x400  }
0x44: {  	[sflag:s23] =	ssyncset.done $0x0  }
0x45: {  	[sflag:s23] =	ssyncadd.s32 $0xFFFFFC00  }
0x46: {  	s14 =	simm.s32 $0x20  }
0x47: {  	s30 =	simm.s32 $0x3420;
	v6 =	vld [tilespmem:s14+$0x10]  }
0x48: {  	v7 =	vld [tilespmem:s30+$0x10]  }
0x49: {  	v5 =	vld [tilespmem:s30+$0xFFFFFFE0]  }
0x4a: {  	v1 =	vld [tilespmem:s14+$0xFFFFFFF0]  }
0x4b: {  	v4 =	vld [tilespmem:s30+$0xFFFFFFF0]  }
0x4c: {  	v3 =	vld [tilespmem:s30+$0x0]  }
0x4d: {  	v0 =	vld [tilespmem:s14+$0x0]  }
0x4e: {  	v2 =	vld [tilespmem:s14+$0xFFFFFFE0]  }
0x4f: {  	v11 =	vld.idx.msk [tilespmem:v6+s19+$0x0], $0xffff  }
0x50: {  	v8 =	vadd.s32 $0x3E8, v6;
	v13 =	vld.idx.msk [tilespmem:v7+s19+$0x0], $0xffff  }
0x51: {  	v9 =	vadd.s32 $0x3E8, v7;
	v42 =	vld.idx.msk [tilespmem:v6+s20+$0x0], $0xffff  }
0x52: {  	v10 =	vadd.s32 $0x7D0, v6;
	v44 =	vld.idx.msk [tilespmem:v5+s19+$0x0], $0xffff  }
0x53: {  	v12 =	vadd.s32 $0x7D0, v7;
	v46 =	vld.idx.msk [tilespmem:v4+s19+$0x0], $0xffff  }
0x54: {  	v14 =	vadd.s32 $0xBB8, v6;
	v48 =	vld.idx.msk [tilespmem:v3+s19+$0x0], $0xffff  }
0x55: {  	v15 =	vadd.s32 $0xBB8, v7;
	v8 =	vld.idx.msk [tilespmem:v8+s19+$0x0], $0xffff  }
0x56: {  	v16 =	vadd.s32 $0xFA0, v6;
	v9 =	vld.idx.msk [tilespmem:v9+s19+$0x0], $0xffff  }
0x57: {  	v17 =	vadd.s32 $0xFA0, v7;
	v10 =	vld.idx.msk [tilespmem:v10+s19+$0x0], $0xffff  }
0x58: {  	v18 =	vadd.s32 $0x1388, v6;
	v12 =	vld.idx.msk [tilespmem:v12+s19+$0x0], $0xffff  }
0x59: {  	v19 =	vadd.s32 $0x1388, v7;
	v14 =	vld.idx.msk [tilespmem:v14+s19+$0x0], $0xffff  }
0x5a: {  	v20 =	vadd.s32 $0x1770, v6;
	v15 =	vld.idx.msk [tilespmem:v15+s19+$0x0], $0xffff  }
0x5b: {  	v21 =	vadd.s32 $0x1770, v7;
	v16 =	vld.idx.msk [tilespmem:v16+s19+$0x0], $0xffff  }
0x5c: {  	v22 =	vadd.s32 $0x1B58, v6;
	v17 =	vld.idx.msk [tilespmem:v17+s19+$0x0], $0xffff  }
0x5d: {  	v23 =	vadd.s32 $0x1B58, v7;
	v18 =	vld.idx.msk [tilespmem:v18+s19+$0x0], $0xffff  }
0x5e: {  	v24 =	vadd.s32 $0x1F40, v6;
	v19 =	vld.idx.msk [tilespmem:v19+s19+$0x0], $0xffff  }
0x5f: {  	v25 =	vadd.s32 $0x1F40, v7;
	v20 =	vld.idx.msk [tilespmem:v20+s19+$0x0], $0xffff  }
0x60: {  	v26 =	vadd.s32 $0x2328, v6;
	v27 =	vadd.s32 $0x3E8, v5;
	v28 =	vadd.s32 $0x2328, v7;
	v21 =	vld.idx.msk [tilespmem:v21+s19+$0x0], $0xffff  }
0x61: {  	v29 =	vadd.s32 $0x7D0, v5;
	v30 =	vadd.s32 $0x3E8, v1;
	v31 =	vadd.s32 $0x2710, v6;
	v22 =	vld.idx.msk [tilespmem:v22+s19+$0x0], $0xffff  }
0x62: {  	v32 =	vadd.s32 $0x7D0, v1;
	v33 =	vadd.s32 $0x3E8, v4;
	v34 =	vadd.s32 $0x2710, v7;
	v23 =	vld.idx.msk [tilespmem:v23+s19+$0x0], $0xffff  }
0x63: {  	v35 =	vadd.s32 $0x2AF8, v6;
	v36 =	vadd.s32 $0x2AF8, v7;
	v38 =	vadd.s32 $0x3E8, v0;
	v24 =	vld.idx.msk [tilespmem:v24+s19+$0x0], $0xffff  }
0x64: {  	v49 =	vadd.s32 $0x2EE0, v7;
	v37 =	vadd.s32 $0x7D0, v4;
	v59 =	vadd.s32 $0xFA0, v5;
	v25 =	vld.idx.msk [tilespmem:v25+s19+$0x0], $0xffff  }
0x65: {  	v39 =	vadd.s32 $0x32C8, v6;
	v50 =	vadd.s32 $0x36B0, v6;
	v40 =	vadd.s32 $0x3E8, v2;
	v26 =	vld.idx.msk [tilespmem:v26+s19+$0x0], $0xffff  }
0x66: {  	v41 =	vadd.s32 $0x3A98, v7;
	v51 =	vadd.s32 $0x3E8, v3;
	v52 =	vadd.s32 $0x7D0, v2;
	v28 =	vld.idx.msk [tilespmem:v28+s19+$0x0], $0xffff  }
0x67: {  	v56 =	vadd.s32 $0xBB8, v0;
	v58 =	vadd.s32 $0xFA0, v2;
	v60 =	vadd.s32 $0xFA0, v1;
	v34 =	vld.idx.msk [tilespmem:v34+s19+$0x0], $0xffff  }
0x68: {  	v43 =	vadd.s32 $0xFA0, v4;
	v57 =	vld.idx.msk [tilespmem:v38+s19+$0x0], $0xffff;
	v11 =	vmul.f32 v11, v11;
	v13 =	vmul.f32 v13, v13  }
0x69: {  	v61 =	vadd.s32 $0xFA0, v0;
	v38 =	vld.idx.msk [tilespmem:v59+s19+$0x0], $0xffff;
	v42 =	vmul.f32 v42, v42;
	v59 =	vmul.f32 v48, v48  }
0x6a: {  	v45 =	vadd.s32 $0x1388, v2;
	v39 =	vld.idx.msk [tilespmem:v39+s19+$0x0], $0xffff;
	v8 =	vmul.f32 v8, v8;
	v9 =	vmul.f32 v9, v9  }
0x6b: {  	v47 =	vadd.s32 $0x1388, v5;
	v29 =	vld.idx.msk [tilespmem:v29+s19+$0x0], $0xffff;
	v11 =	vmul.f32 v13, v11;
	v10 =	vmul.f32 v10, v10  }
0x6c: {  	v62 =	vadd.s32 $0x1388, v4;
	v36 =	vld.idx.msk [tilespmem:v36+s19+$0x0], $0xffff;
	v14 =	vmul.f32 v14, v14;
	v15 =	vmul.f32 v15, v15  }
0x6d: {  	v55 =	vld.idx.msk [tilespmem:v30+s19+$0x0], $0xffff;
	v30 =	vadd.s32 $0xBB8, v3;
	v16 =	vmul.f32 v16, v16;
	v18 =	vmul.f32 v18, v18  }
0x6e: {  	vm0 =	veq.s32 v6, v7;
	v53 =	vld.idx.msk [tilespmem:v41+s19+$0x0], $0xffff;
	v20 =	vmul.f32 v20, v20;
	v22 =	vmul.f32 v22, v22  }
0x6f: {  	vm1 =	veq.s32 v2, v5;
	v37 =	vld.idx.msk [tilespmem:v37+s19+$0x0], $0xffff;
	v24 =	vmul.f32 v24, v24;
	v26 =	vmul.f32 v26, v26  }
0x70: {  	vm2 =	veq.s32 v1, v4;
	v54 =	vld.idx.msk [tilespmem:v27+s19+$0x0], $0xffff;
	v39 =	vmul.f32 v39, v39;
	v29 =	vmul.f32 v29, v29  }
0x71: {  	v41 =	vadd.s32 $0xBB8, v5;
	v47 =	vld.idx.msk [tilespmem:v47+s19+$0x0], $0xffff;
	v8 =	vmul.f32 v9, v8;
	v9 =	vmul.f32 v12, v12  }
0x72: {  	v13 =	vadd.s32 $0x2EE0, v6;
	v30 =	vld.idx.msk [tilespmem:v30+s19+$0x0], $0xffff;
	v14 =	vmul.f32 v15, v14;
	v15 =	vmul.f32 v17, v17  }
0x73: {  	v12 =	vld.idx.msk [tilespmem:v31+s19+$0x0], $0xffff;
	v17 =	vadd.s32 $0x3A98, v6;
	v8 =	vadd.f32 v8, v11;
	v9 =	vmul.f32 v9, v10  }
0x74: {  	v27 =	vadd.s32 $0xBB8, v4;
	v37 =	vmul.f32 v37, v37;
	v38 =	vmul.f32 v38, v38;
	v31 =	vld.idx.msk [tilespmem:v49+s19+$0x0], $0xffff  }
0x75: {  	v6 =	vnsel vm0, $0x0, v42;
	v42 =	vadd.s32 $0x1B58, v5;
	v10 =	vld.idx.msk [tilespmem:v35+s19+$0x0], $0xffff;
	v8 =	vadd.f32 v9, v8  }
0x76: {  	v47 =	vmul.f32 v47, v47;
	v49 =	vadd.s32 $0x1388, v3;
	vm0 =	veq.s32 v0, v3;
	v35 =	vld.idx.msk [tilespmem:v50+s19+$0x0], $0xffff  }
0x77: {  	v11 =	vadd.s32 $0x32C8, v7;
	v9 =	vld.idx.msk [tilespmem:v13+s19+$0x0], $0xffff;
	v8 =	vadd.f32 v14, v8;
	v14 =	vmul.f32 v15, v16  }
0x78: {  	v50 =	vadd.s32 $0x1F40, v2;
	v30 =	vmul.f32 v30, v30;
	v17 =	vld.idx.msk [tilespmem:v17+s19+$0x0], $0xffff;
	v15 =	vmul.f32 v19, v19  }
0x79: {  	v63 =	vld.idx.msk [tilespmem:v32+s19+$0x0], $0xffff;
	v13 =	vadd.s32 $0x36B0, v7;
	v12 =	vmul.f32 v12, v12;
	v8 =	vadd.f32 v14, v8  }
0x7a: {  	v42 =	vld.idx.msk [tilespmem:v42+s19+$0x0], $0xffff;
	v14 =	vmul.f32 v15, v18;
	v15 =	vmul.f32 v21, v21;
	v18 =	vadd.s32 $0x7D0, v3  }
0x7b: {  	v40 =	vld.idx.msk [tilespmem:v40+s19+$0x0], $0xffff;
	v10 =	vmul.f32 v10, v10;
	v35 =	vmul.f32 v35, v35;
	v21 =	vadd.s32 $0x1388, v1  }
0x7c: {  	v62 =	vld.idx.msk [tilespmem:v62+s19+$0x0], $0xffff;
	v8 =	vadd.f32 v14, v8;
	v14 =	vmul.f32 v15, v20;
	v15 =	vmul.f32 v23, v23  }
0x7d: {  	v16 =	vadd.s32 $0x7D0, v0;
	v11 =	vld.idx.msk [tilespmem:v11+s19+$0x0], $0xffff;
	v9 =	vmul.f32 v9, v9;
	v17 =	vmul.f32 v17, v17  }
0x7e: {  	v13 =	vld.idx.msk [tilespmem:v13+s19+$0x0], $0xffff;
	v8 =	vadd.f32 v14, v8;
	v14 =	vmul.f32 v15, v22;
	v15 =	vmul.f32 v25, v25  }
0x7f: {  	v23 =	vadd.s32 $0xBB8, v2;
	v20 =	vmul.f32 v63, v63;
	v42 =	vmul.f32 v42, v42;
	v18 =	vld.idx.msk [tilespmem:v18+s19+$0x0], $0xffff  }
0x80: {  	v22 =	vadd.s32 $0x1770, v1;
	v21 =	vld.idx.msk [tilespmem:v21+s19+$0x0], $0xffff;
	v8 =	vadd.f32 v14, v8;
	v14 =	vmul.f32 v15, v24  }
0x81: {  	v63 =	vadd.s32 $0x2328, v1;
	v15 =	vmul.f32 v28, v28;
	v24 =	vmul.f32 v55, v55;
	v55 =	vld.idx.msk [tilespmem:v27+s19+$0x0], $0xffff  }
0x82: {  	v25 =	vadd.s32 $0xBB8, v1;
	v20 =	vmul.f32 v37, v20;
	v27 =	vadd.s32 $0x1B58, v2;
	v28 =	vld.idx.msk [tilespmem:v56+s19+$0x0], $0xffff  }
0x83: {  	v8 =	vadd.f32 v14, v8;
	v14 =	vmul.f32 v15, v26;
	v15 =	vmul.f32 v34, v34;
	v34 =	vld.idx.msk [tilespmem:v58+s19+$0x0], $0xffff  }
0x84: {  	v37 =	vmul.f32 v62, v62;
	v62 =	vadd.s32 $0x2EE0, v5;
	v56 =	vmul.f32 v44, v44;
	v58 =	vld.idx.msk [tilespmem:v43+s19+$0x0], $0xffff  }
0x85: {  	v44 =	vadd.s32 $0x1B58, v4;
	v26 =	vmul.f32 v57, v57;
	v57 =	vmul.f32 v46, v46;
	v22 =	vld.idx.msk [tilespmem:v22+s19+$0x0], $0xffff  }
0x86: {  	v46 =	vadd.s32 $0x1B58, v0;
	v43 =	vadd.s32 $0x2EE0, v4;
	v12 =	vmul.f32 v15, v12;
	v15 =	vld.idx.msk [tilespmem:v2+s19+$0x0], $0xffff  }
0x87: {  	v8 =	vadd.f32 v14, v8;
	v14 =	vmul.f32 v36, v36;
	v36 =	vld.idx.msk [tilespmem:v60+s19+$0x0], $0xffff;
	v18 =	vmul.f32 v18, v18  }
0x88: {  	v60 =	vadd.s32 $0x1F40, v5;
	v21 =	vmul.f32 v21, v21;
	v28 =	vmul.f32 v28, v28;
	v27 =	vld.idx.msk [tilespmem:v27+s19+$0x0], $0xffff  }
0x89: {  	v8 =	vadd.f32 v12, v8;
	v10 =	vmul.f32 v14, v10;
	v12 =	vmul.f32 v31, v31;
	v14 =	vld.idx.msk [tilespmem:v1+s19+$0x0], $0xffff  }
0x8a: {  	v31 =	vld.idx.msk [tilespmem:v61+s19+$0x0], $0xffff;
	v61 =	vadd.s32 $0x1F40, v4;
	v21 =	vmul.f32 v37, v21;
	v28 =	vmul.f32 v30, v28  }
0x8b: {  	v49 =	vld.idx.msk [tilespmem:v49+s19+$0x0], $0xffff;
	v8 =	vadd.f32 v10, v8;
	v9 =	vmul.f32 v12, v9;
	v10 =	vmul.f32 v11, v11  }
0x8c: {  	v46 =	vld.idx.msk [tilespmem:v46+s19+$0x0], $0xffff;
	v12 =	vadd.s32 $0xFA0, v3;
	v22 =	vmul.f32 v22, v22;
	v15 =	vmul.f32 v15, v15  }
0x8d: {  	v11 =	vld.idx.msk [tilespmem:v0+s19+$0x0], $0xffff;
	v8 =	vadd.f32 v9, v8;
	v9 =	vmul.f32 v10, v39;
	v10 =	vmul.f32 v13, v13  }
0x8e: {  	v13 =	vld.idx.msk [tilespmem:v52+s19+$0x0], $0xffff;
	v52 =	vadd.s32 $0x1388, v0;
	v27 =	vmul.f32 v27, v27;
	v14 =	vmul.f32 v14, v14  }
0x8f: {  	v48 =	vld.idx.msk [tilespmem:v60+s19+$0x0], $0xffff;
	v39 =	vadd.s32 $0x2328, v5;
	v15 =	vmul.f32 v56, v15;
	v56 =	vmul.f32 v34, v34  }
0x90: {  	v34 =	vadd.s32 $0x2710, v5;
	v31 =	vmul.f32 v31, v31;
	v60 =	vld.idx.msk [tilespmem:v61+s19+$0x0], $0xffff;
	v61 =	vmul.f32 v49, v49  }
0x91: {  	v45 =	vld.idx.msk [tilespmem:v45+s19+$0x0], $0xffff;
	v8 =	vadd.f32 v9, v8;
	v9 =	vmul.f32 v10, v35;
	v10 =	vmul.f32 v53, v53  }
0x92: {  	v33 =	vld.idx.msk [tilespmem:v33+s19+$0x0], $0xffff;
	v53 =	vmul.f32 v40, v40;
	v40 =	vadd.s32 $0x1770, v2;
	v27 =	vmul.f32 v42, v27  }
0x93: {  	v25 =	vld.idx.msk [tilespmem:v25+s19+$0x0], $0xffff;
	v35 =	vadd.s32 $0x1770, v3;
	v46 =	vmul.f32 v46, v46;
	v11 =	vmul.f32 v11, v11  }
0x94: {  	v50 =	vld.idx.msk [tilespmem:v50+s19+$0x0], $0xffff;
	v14 =	vmul.f32 v57, v14;
	v57 =	vmul.f32 v36, v36;
	v36 =	vadd.s32 $0x2710, v4  }
0x95: {  	v8 =	vadd.f32 v9, v8;
	v9 =	vmul.f32 v10, v17;
	v10 =	vld.idx.msk [tilespmem:v16+s19+$0x0], $0xffff;
	v16 =	vmul.f32 v54, v54  }
0x96: {  	v17 =	vadd.s32 $0x1770, v5;
	v54 =	vld.idx.msk [tilespmem:v41+s19+$0x0], $0xffff;
	v41 =	vmul.f32 v58, v58;
	v58 =	vmul.f32 v45, v45  }
0x97: {  	v45 =	vadd.s32 $0x2AF8, v5;
	v48 =	vmul.f32 v48, v48;
	v13 =	vmul.f32 v13, v13  }
0x98: {  	v11 =	vmul.f32 v59, v11;
	v32 =	vld.idx.msk [tilespmem:v52+s19+$0x0], $0xffff;
	v52 =	vmul.f32 v25, v25;
	v59 =	vadd.s32 $0x2AF8, v0  }
0x99: {  	v19 =	vld.idx.msk [tilespmem:v51+s19+$0x0], $0xffff;
	v8 =	vadd.f32 v9, v8;
	v7 =	vmul.f32 v16, v53;
	v16 =	vmul.f32 v33, v33  }
0x9a: {  	v12 =	vld.idx.msk [tilespmem:v12+s19+$0x0], $0xffff;
	v33 =	vadd.s32 $0x1770, v4;
	v53 =	vadd.s32 $0x2328, v4;
	v30 =	vmul.f32 v41, v57  }
0x9b: {  	v41 =	vld.idx.msk [tilespmem:v44+s19+$0x0], $0xffff;
	v44 =	vmul.f32 v47, v58;
	v57 =	vadd.s32 $0x32C8, v0;
	v58 =	vmul.f32 v50, v50  }
0x9c: {  	v50 =	vadd.s32 $0x36B0, v5;
	v37 =	vmul.f32 v60, v60;
	v47 =	vadd.s32 $0x3A98, v5  }
0x9d: {  	v13 =	vmul.f32 v29, v13;
	v29 =	vadd.s32 $0x1F40, v0;
	v6 =	vadd.f32 v6, v8  }
0x9e: {  	v39 =	vld.idx.msk [tilespmem:v39+s19+$0x0], $0xffff;
	v8 =	vmul.f32 v16, v24;
	v16 =	vmul.f32 v19, v19;
	v24 =	vadd.s32 $0x1770, v0  }
0x9f: {  	v9 =	vld.idx.msk [tilespmem:v23+s19+$0x0], $0xffff;
	v7 =	vadd.f32 v7, v15;
	v19 =	vmul.f32 v55, v55;
	v12 =	vmul.f32 v12, v12  }
0xa0: {  	v34 =	vld.idx.msk [tilespmem:v34+s19+$0x0], $0xffff;
	v15 =	vadd.s32 $0x1B58, v3;
	v10 =	vmul.f32 v10, v10;
	v23 =	vmul.f32 v54, v54  }
0xa1: {  	v40 =	vld.idx.msk [tilespmem:v40+s19+$0x0], $0xffff;
	v54 =	vadd.s32 $0x2328, v0;
	v16 =	vmul.f32 v16, v26;
	v26 =	vadd.s32 $0x1B58, v1  }
0xa2: {  	v35 =	vld.idx.msk [tilespmem:v35+s19+$0x0], $0xffff;
	v8 =	vadd.f32 v8, v14;
	v14 =	vadd.s32 $0x1F40, v1;
	v12 =	vmul.f32 v12, v31  }
0xa3: {  	v36 =	vld.idx.msk [tilespmem:v36+s19+$0x0], $0xffff;
	v7 =	vadd.f32 v13, v7;
	v32 =	vmul.f32 v32, v32;
	v39 =	vmul.f32 v39, v39  }
0xa4: {  	v17 =	vld.idx.msk [tilespmem:v17+s19+$0x0], $0xffff;
	v13 =	vadd.s32 $0x1F40, v3;
	v9 =	vmul.f32 v9, v9;
	v10 =	vmul.f32 v18, v10  }
0xa5: {  	v31 =	vadd.s32 $0x2AF8, v4;
	v18 =	vmul.f32 v19, v52;
	v55 =	vld.idx.msk [tilespmem:v33+s19+$0x0], $0xffff;
	v33 =	vmul.f32 v38, v56  }
0xa6: {  	v45 =	vld.idx.msk [tilespmem:v45+s19+$0x0], $0xffff;
	v38 =	vadd.s32 $0x2710, v0;
	v56 =	vadd.s32 $0x32C8, v4;
	v41 =	vmul.f32 v41, v41  }
0xa7: {  	v34 =	vmul.f32 v34, v34;
	v11 =	vadd.f32 v16, v11;
	v8 =	vadd.f32 v20, v8;
	v20 =	vld.idx.msk [tilespmem:v63+s19+$0x0], $0xffff  }
0xa8: {  	v16 =	vadd.s32 $0x2328, v2;
	v40 =	vmul.f32 v40, v40;
	v32 =	vmul.f32 v61, v32;
	v63 =	vld.idx.msk [tilespmem:v53+s19+$0x0], $0xffff  }
0xa9: {  	v52 =	vmul.f32 v35, v35;
	v53 =	vadd.s32 $0x32C8, v5;
	v61 =	vld.idx.msk [tilespmem:v62+s19+$0x0], $0xffff;
	v62 =	vadd.s32 $0x3A98, v4  }
0xaa: {  	v29 =	vld.idx.msk [tilespmem:v29+s19+$0x0], $0xffff;
	v9 =	vmul.f32 v23, v9;
	v10 =	vadd.f32 v10, v11;
	v11 =	vadd.s32 $0x2710, v2  }
0xab: {  	v24 =	vld.idx.msk [tilespmem:v24+s19+$0x0], $0xffff;
	v8 =	vadd.f32 v18, v8;
	v18 =	vadd.s32 $0x2710, v1;
	v17 =	vmul.f32 v17, v17  }
0xac: {  	v23 =	vld.idx.msk [tilespmem:v54+s19+$0x0], $0xffff;
	v54 =	vadd.s32 $0x32C8, v1;
	v51 =	vmul.f32 v45, v45;
	v7 =	vadd.f32 v9, v7  }
0xad: {  	v15 =	vld.idx.msk [tilespmem:v15+s19+$0x0], $0xffff;
	v9 =	vadd.s32 $0x2328, v3;
	v10 =	vadd.f32 v28, v10;
	v28 =	vadd.s32 $0x2AF8, v2  }
0xae: {  	v59 =	vld.idx.msk [tilespmem:v59+s19+$0x0], $0xffff;
	v8 =	vadd.f32 v30, v8;
	v30 =	vadd.s32 $0x2AF8, v1;
	v17 =	vmul.f32 v17, v40  }
0xaf: {  	v57 =	vld.idx.msk [tilespmem:v57+s19+$0x0], $0xffff;
	v40 =	vadd.s32 $0x2EE0, v0;
	v19 =	vmul.f32 v55, v55;
	v7 =	vadd.f32 v33, v7  }
0xb0: {  	v26 =	vld.idx.msk [tilespmem:v26+s19+$0x0], $0xffff;
	v33 =	vadd.s32 $0x2710, v3;
	v29 =	vmul.f32 v29, v29;
	v20 =	vmul.f32 v20, v20  }
0xb1: {  	v14 =	vld.idx.msk [tilespmem:v14+s19+$0x0], $0xffff;
	v10 =	vadd.f32 v12, v10;
	v12 =	vadd.s32 $0x2EE0, v2;
	v24 =	vmul.f32 v24, v24  }
0xb2: {  	v13 =	vld.idx.msk [tilespmem:v13+s19+$0x0], $0xffff;
	v8 =	vadd.f32 v21, v8;
	v19 =	vmul.f32 v19, v22;
	v15 =	vmul.f32 v15, v15  }
0xb3: {  	v31 =	vld.idx.msk [tilespmem:v31+s19+$0x0], $0xffff;
	v21 =	vadd.s32 $0x2EE0, v1;
	v22 =	vmul.f32 v63, v63;
	v63 =	vmul.f32 v36, v36  }
0xb4: {  	v38 =	vld.idx.msk [tilespmem:v38+s19+$0x0], $0xffff;
	v7 =	vadd.f32 v44, v7;
	v44 =	vadd.s32 $0x2AF8, v3;
	v10 =	vadd.f32 v32, v10  }
0xb5: {  	v16 =	vld.idx.msk [tilespmem:v16+s19+$0x0], $0xffff;
	v32 =	vadd.s32 $0x32C8, v2;
	v24 =	vmul.f32 v52, v24;
	v55 =	vmul.f32 v26, v26  }
0xb6: {  	v11 =	vld.idx.msk [tilespmem:v11+s19+$0x0], $0xffff;
	v8 =	vadd.f32 v19, v8;
	v15 =	vmul.f32 v15, v46;
	v14 =	vmul.f32 v14, v14  }
0xb7: {  	v18 =	vld.idx.msk [tilespmem:v18+s19+$0x0], $0xffff;
	v46 =	vadd.s32 $0x36B0, v4;
	v13 =	vmul.f32 v13, v13;
	v20 =	vmul.f32 v22, v20  }
0xb8: {  	v9 =	vld.idx.msk [tilespmem:v9+s19+$0x0], $0xffff;
	v22 =	vadd.s32 $0x3A98, v0;
	v7 =	vadd.f32 v17, v7;
	v17 =	vadd.s32 $0x2EE0, v3  }
0xb9: {  	v52 =	vld.idx.msk [tilespmem:v53+s19+$0x0], $0xffff;
	v10 =	vadd.f32 v24, v10;
	v24 =	vadd.s32 $0x36B0, v2;
	v25 =	vmul.f32 v41, v55  }
0xba: {  	v53 =	vld.idx.msk [tilespmem:v54+s19+$0x0], $0xffff;
	v41 =	vmul.f32 v48, v58;
	v48 =	vadd.s32 $0x36B0, v0;
	v14 =	vmul.f32 v37, v14  }
0xbb: {  	v28 =	vld.idx.msk [tilespmem:v28+s19+$0x0], $0xffff;
	v37 =	vadd.s32 $0x36B0, v3;
	v16 =	vmul.f32 v16, v16;
	v13 =	vmul.f32 v13, v29  }
0xbc: {  	v33 =	vld.idx.msk [tilespmem:v33+s19+$0x0], $0xffff;
	v55 =	vmul.f32 v59, v59;
	v7 =	vadd.f32 v27, v7;
	v8 =	vadd.f32 v25, v8  }
0xbd: {  	v30 =	vld.idx.msk [tilespmem:v30+s19+$0x0], $0xffff;
	v10 =	vadd.f32 v15, v10;
	v16 =	vmul.f32 v39, v16;
	v11 =	vmul.f32 v11, v11  }
0xbe: {  	v21 =	vld.idx.msk [tilespmem:v21+s19+$0x0], $0xffff;
	v7 =	vadd.f32 v41, v7;
	v9 =	vmul.f32 v9, v9;
	v8 =	vadd.f32 v14, v8  }
0xbf: {  	v59 =	vld.idx.msk [tilespmem:v50+s19+$0x0], $0xffff;
	v14 =	vmul.f32 v23, v23;
	v10 =	vadd.f32 v13, v10;
	v13 =	vmul.f32 v18, v18  }
0xc0: {  	v27 =	vadd.s32 $0x32C8, v3;
	v60 =	vld.idx.msk [tilespmem:v44+s19+$0x0], $0xffff;
	v5 =	vmul.f32 v34, v11;
	v11 =	vmul.f32 v38, v38  }
0xc1: {  	v12 =	vld.idx.msk [tilespmem:v12+s19+$0x0], $0xffff;
	v49 =	vmul.f32 v33, v33;
	v7 =	vadd.f32 v16, v7;
	v16 =	vmul.f32 v28, v28  }
0xc2: {  	s29 =	simm.s32 $0xED20;
	v25 =	vadd.s32 $0x36B0, v1;
	v32 =	vld.idx.msk [tilespmem:v32+s19+$0x0], $0xffff;
	v9 =	vmul.f32 v9, v14;
	v13 =	vmul.f32 v63, v13  }
0xc3: {  	[tilespmem:s29+$0x10] =	vst v6;
	v15 =	vadd.s32 $0x3A98, v2;
	v17 =	vld.idx.msk [tilespmem:v17+s19+$0x0], $0xffff;
	v6 =	vmul.f32 v21, v21;
	v4 =	vmul.f32 v49, v11  }
0xc4: {  	v14 =	vld.idx.msk [tilespmem:v43+s19+$0x0], $0xffff;
	v43 =	vadd.s32 $0x3A98, v3;
	v11 =	vmul.f32 v30, v30;
	v3 =	vmul.f32 v51, v16  }
0xc5: {  	v54 =	vld.idx.msk [tilespmem:v56+s19+$0x0], $0xffff;
	v8 =	vadd.f32 v20, v8;
	v16 =	vmul.f32 v31, v31;
	v56 =	vmul.f32 v60, v60  }
0xc6: {  	v40 =	vld.idx.msk [tilespmem:v40+s19+$0x0], $0xffff;
	v5 =	vadd.f32 v5, v7;
	v7 =	vmul.f32 v61, v61;
	v61 =	vmul.f32 v59, v59  }
0xc7: {  	v2 =	vld.idx.msk [tilespmem:v2+s20+$0x0], $0xffff;
	v9 =	vadd.f32 v9, v10;
	v10 =	vmul.f32 v16, v11;
	v11 =	vmul.f32 v12, v12  }
0xc8: {  	v58 =	vld.idx.msk [tilespmem:v24+s19+$0x0], $0xffff;
	v16 =	vmul.f32 v56, v55;
	v3 =	vadd.f32 v3, v5;
	v5 =	vmul.f32 v32, v32  }
0xc9: {  	v12 =	vld.idx.msk [tilespmem:v27+s19+$0x0], $0xffff;
	v4 =	vadd.f32 v4, v9;
	v9 =	vmul.f32 v17, v17;
	v14 =	vmul.f32 v14, v14  }
0xca: {  	v8 =	vadd.f32 v13, v8;
	v13 =	vld.idx.msk [tilespmem:v25+s19+$0x0], $0xffff;
	v17 =	vmul.f32 v52, v52;
	v7 =	vmul.f32 v7, v11  }
0xcb: {  	v44 =	vadd.s32 $0x3A98, v1;
	v11 =	vmul.f32 v40, v40;
	v6 =	vmul.f32 v14, v6;
	v14 =	vld.idx.msk [tilespmem:v46+s19+$0x0], $0xffff  }
0xcc: {  	v60 =	vld.idx.msk [tilespmem:v48+s19+$0x0], $0xffff;
	v8 =	vadd.f32 v10, v8;
	v10 =	vmul.f32 v53, v53;
	v5 =	vmul.f32 v17, v5  }
0xcd: {  	v4 =	vadd.f32 v16, v4;
	v16 =	vmul.f32 v54, v54;
	v9 =	vmul.f32 v9, v11;
	v11 =	vld.idx.msk [tilespmem:v37+s19+$0x0], $0xffff  }
0xce: {  	v15 =	vld.idx.msk [tilespmem:v15+s19+$0x0], $0xffff;
	v7 =	vadd.f32 v7, v3;
	v3 =	vmul.f32 v57, v57;
	v12 =	vmul.f32 v12, v12  }
0xcf: {  	v17 =	vld.idx.msk [tilespmem:v47+s19+$0x0], $0xffff;
	v13 =	vmul.f32 v13, v13;
	v6 =	vadd.f32 v6, v8;
	v8 =	vmul.f32 v16, v10  }
0xd0: {  	p2 =	sgt.s32 s9, $0x40;
	v16 =	vld.idx.msk [tilespmem:v44+s19+$0x0], $0xffff;
	v9 =	vadd.f32 v9, v4;
	v12 =	vmul.f32 v12, v3;
	v14 =	vmul.f32 v14, v14  }
.Ltmp3:
0xd1: {  	v63 =	vmul.f32 v60, v60;
	v10 =	vmul.f32 v58, v58;
	v3 =	vld.idx.msk [tilespmem:v62+s19+$0x0], $0xffff;
	v62 =	vadd.f32 v5, v7;
	(pc) =	sbr.rel @!p2 .LBB2_4-.Ltmp3, $4  }
0xd2: {  	v4 =	vld.idx.msk [tilespmem:v22+s19+$0x0], $0xffff;
	v7 =	vadd.f32 v12, v9;
	v9 =	vmul.f32 v14, v13;
	v13 =	vmul.f32 v11, v11  }
0xd3: {  	v5 =	vld.idx.msk [tilespmem:v43+s19+$0x0], $0xffff;
	v8 =	vadd.f32 v8, v6;
	v6 =	vmul.f32 v61, v10;
	v10 =	vmul.f32 v15, v15  }
0xd4: {  	vm0 =	vmmov vm0;
	v12 =	vld.idx.msk [tilespmem:v1+s20+$0x0], $0xffff;
	v14 =	vmul.f32 v17, v17;
	v15 =	vmul.f32 v13, v63  }
0xd5: {  	s31 =	simm.s32 $0x40;
	s15 =	simm.s32 $0xED20;
	s14 =	simm.s32 $0x60;
	v6 =	vadd.f32 v6, v62;
	v11 =	vadd.f32 v9, v8;
	v9 =	vmul.f32 v16, v16;
	v8 =	vld.idx.msk [tilespmem:v0+s20+$0x0], $0xffff  }
.LBB2_3:
0xd6: {  	v13 =	vld [tilespmem:s14+$0x10];
	v0 =	vmul.f32 v14, v10;
	v1 =	vmul.f32 v3, v3;
	v14 =	vadd.f32 v15, v7;
	s30 =	sadd.s32 $0x40, s30  }
0xd7: {  	s31 =	sadd.s32 $0x40, s31;
	v7 =	vmul.f32 v4, v4;
	v16 =	vld [tilespmem:s30+$0x10]  }
0xd8: {  	p2 =	slt.s32 s31, s9;
	v5 =	vmul.f32 v5, v5;
	v10 =	vld [tilespmem:s30+$0xFFFFFFE0];
	v4 =	vadd.f32 v0, v6;
	v1 =	vmul.f32 v1, v9  }
0xd9: {  	v2 =	vmul.f32 v2, v2;
	v0 =	vld [tilespmem:s14+$0xFFFFFFF0]  }
0xda: {  	v6 =	vmul.f32 v12, v12;
	v12 =	vmul.f32 v5, v7;
	v9 =	vld [tilespmem:s30+$0xFFFFFFF0];
	v3 =	vadd.f32 v1, v11  }
0xdb: {  	v7 =	vnsel vm1, $0x0, v2;
	v8 =	vmul.f32 v8, v8;
	v1 =	vld [tilespmem:s14+$0x0];
	v15 =	vadd.s32 $0x3E8, v13  }
0xdc: {  	v5 =	vnsel vm2, $0x0, v6;
	v6 =	vadd.f32 v12, v14;
	v11 =	vld [tilespmem:s30+$0x0];
	v19 =	vadd.s32 $0x3E8, v16  }
0xdd: {  	v12 =	vadd.s32 $0x7D0, v13;
	v2 =	vld [tilespmem:s14+$0xFFFFFFE0];
	v30 =	vadd.s32 $0x3E8, v10;
	v23 =	vadd.s32 $0x7D0, v10  }
0xde: {  	v14 =	vadd.s32 $0x7D0, v16;
	v27 =	vadd.s32 $0x3E8, v0;
	v22 =	vadd.s32 $0x7D0, v0;
	v31 =	vld.idx.msk [tilespmem:v13+s19+$0x0], $0xffff  }
0xdf: {  	v34 =	vadd.s32 $0xBB8, v13;
	v28 =	vadd.s32 $0x3E8, v9;
	v18 =	vadd.s32 $0x7D0, v9;
	v32 =	vld.idx.msk [tilespmem:v16+s19+$0x0], $0xffff  }
0xe0: {  	v36 =	vadd.s32 $0xBB8, v16;
	v29 =	vadd.s32 $0x3E8, v1;
	v20 =	vadd.s32 $0x7D0, v1;
	v35 =	vld.idx.msk [tilespmem:v15+s19+$0x0], $0xffff  }
0xe1: {  	v38 =	vadd.s32 $0xFA0, v13;
	v26 =	vadd.s32 $0x3E8, v11;
	v17 =	vadd.s32 $0x7D0, v11;
	v37 =	vld.idx.msk [tilespmem:v19+s19+$0x0], $0xffff  }
0xe2: {  	v40 =	vadd.s32 $0xFA0, v16;
	v33 =	vadd.s32 $0x3E8, v2;
	v25 =	vadd.s32 $0x7D0, v2;
	v39 =	vld.idx.msk [tilespmem:v12+s19+$0x0], $0xffff  }
0xe3: {  	v42 =	vadd.s32 $0x1388, v13;
	v21 =	vadd.s32 $0xBB8, v10;
	v24 =	vadd.s32 $0xBB8, v2;
	v41 =	vld.idx.msk [tilespmem:v14+s19+$0x0], $0xffff  }
0xe4: {  	v43 =	vadd.s32 $0x1388, v16;
	v15 =	vadd.s32 $0xBB8, v9;
	v19 =	vadd.s32 $0xBB8, v0;
	v34 =	vld.idx.msk [tilespmem:v34+s19+$0x0], $0xffff  }
0xe5: {  	v44 =	vadd.s32 $0x1770, v13;
	v12 =	vadd.s32 $0xBB8, v11;
	v14 =	vadd.s32 $0xBB8, v1;
	v36 =	vld.idx.msk [tilespmem:v36+s19+$0x0], $0xffff  }
0xe6: {  	v45 =	vadd.s32 $0x1770, v16;
	v31 =	vmul.f32 v31, v31;
	v32 =	vmul.f32 v32, v32;
	v38 =	vld.idx.msk [tilespmem:v38+s19+$0x0], $0xffff  }
0xe7: {  	v46 =	vadd.s32 $0x1B58, v13;
	v35 =	vmul.f32 v35, v35;
	v37 =	vmul.f32 v37, v37;
	v40 =	vld.idx.msk [tilespmem:v40+s19+$0x0], $0xffff  }
0xe8: {  	v31 =	vmul.f32 v32, v31;
	v32 =	vmul.f32 v39, v39;
	v39 =	vld.idx.msk [tilespmem:v42+s19+$0x0], $0xffff;
	v42 =	vadd.s32 $0x1B58, v16  }
0xe9: {  	v35 =	vmul.f32 v37, v35;
	v37 =	vmul.f32 v41, v41;
	v41 =	vld.idx.msk [tilespmem:v43+s19+$0x0], $0xffff;
	v43 =	vadd.s32 $0x1F40, v13  }
0xea: {  	v48 =	vadd.s32 $0x2328, v13;
	v47 =	vadd.s32 $0x1F40, v16;
	v34 =	vmul.f32 v34, v34;
	v44 =	vld.idx.msk [tilespmem:v44+s19+$0x0], $0xffff  }
0xeb: {  	v31 =	vadd.f32 v35, v31;
	v32 =	vmul.f32 v37, v32;
	v35 =	vmul.f32 v36, v36;
	v36 =	vld.idx.msk [tilespmem:v45+s19+$0x0], $0xffff  }
0xec: {  	v37 =	vmul.f32 v38, v38;
	v45 =	vadd.s32 $0x2328, v16;
	v38 =	vld.idx.msk [tilespmem:v46+s19+$0x0], $0xffff;
	v46 =	vadd.s32 $0x2710, v13  }
0xed: {  	v31 =	vadd.f32 v32, v31;
	v32 =	vmul.f32 v35, v34;
	v34 =	vmul.f32 v40, v40;
	v35 =	vld.idx.msk [tilespmem:v42+s19+$0x0], $0xffff  }
0xee: {  	v39 =	vmul.f32 v39, v39;
	v42 =	vadd.s32 $0x2710, v16;
	v40 =	vld.idx.msk [tilespmem:v43+s19+$0x0], $0xffff;
	v43 =	vadd.s32 $0x2AF8, v13  }
0xef: {  	v31 =	vadd.f32 v32, v31;
	v32 =	vmul.f32 v34, v37;
	v34 =	vmul.f32 v41, v41;
	v37 =	vld.idx.msk [tilespmem:v47+s19+$0x0], $0xffff  }
0xf0: {  	v41 =	vmul.f32 v44, v44;
	v47 =	vadd.s32 $0x2AF8, v16;
	v44 =	vld.idx.msk [tilespmem:v48+s19+$0x0], $0xffff;
	v48 =	vadd.s32 $0x2EE0, v13  }
0xf1: {  	v31 =	vadd.f32 v32, v31;
	v32 =	vmul.f32 v34, v39;
	v34 =	vmul.f32 v36, v36;
	v36 =	vld.idx.msk [tilespmem:v45+s19+$0x0], $0xffff  }
0xf2: {  	v38 =	vmul.f32 v38, v38;
	v45 =	vadd.s32 $0x2EE0, v16;
	v39 =	vld.idx.msk [tilespmem:v46+s19+$0x0], $0xffff;
	v46 =	vadd.s32 $0x32C8, v13  }
0xf3: {  	v31 =	vadd.f32 v32, v31;
	v32 =	vmul.f32 v34, v41;
	v34 =	vmul.f32 v35, v35;
	v35 =	vld.idx.msk [tilespmem:v42+s19+$0x0], $0xffff  }
0xf4: {  	v40 =	vmul.f32 v40, v40;
	v42 =	vadd.s32 $0x32C8, v16;
	v41 =	vld.idx.msk [tilespmem:v43+s19+$0x0], $0xffff;
	v43 =	vadd.s32 $0x36B0, v13  }
0xf5: {  	v31 =	vadd.f32 v32, v31;
	v32 =	vmul.f32 v34, v38;
	v34 =	vmul.f32 v37, v37;
	v37 =	vld.idx.msk [tilespmem:v47+s19+$0x0], $0xffff  }
0xf6: {  	v38 =	vmul.f32 v44, v44;
	v47 =	vadd.s32 $0x36B0, v16;
	v44 =	vld.idx.msk [tilespmem:v48+s19+$0x0], $0xffff;
	v48 =	vadd.s32 $0x3A98, v13  }
0xf7: {  	v32 =	vadd.f32 v32, v31;
	v34 =	vmul.f32 v34, v40;
	v36 =	vmul.f32 v36, v36;
	v45 =	vld.idx.msk [tilespmem:v45+s19+$0x0], $0xffff  }
0xf8: {  	v49 =	vadd.s32 $0x3A98, v16;
	v31 =	vadd.s32 $0xFA0, v2;
	v39 =	vmul.f32 v39, v39;
	v46 =	vld.idx.msk [tilespmem:v46+s19+$0x0], $0xffff  }
0xf9: {  	v32 =	vadd.f32 v34, v32;
	v36 =	vmul.f32 v36, v38;
	v35 =	vmul.f32 v35, v35;
	v38 =	vld.idx.msk [tilespmem:v42+s19+$0x0], $0xffff  }
0xfa: {  	v40 =	vadd.s32 $0xFA0, v10;
	v34 =	vadd.s32 $0xFA0, v0;
	v41 =	vmul.f32 v41, v41;
	v42 =	vld.idx.msk [tilespmem:v43+s19+$0x0], $0xffff  }
0xfb: {  	v36 =	vadd.f32 v36, v32;
	v35 =	vmul.f32 v35, v39;
	v37 =	vmul.f32 v37, v37;
	v43 =	vld.idx.msk [tilespmem:v47+s19+$0x0], $0xffff  }
0xfc: {  	v39 =	vadd.s32 $0xFA0, v9;
	v32 =	vadd.s32 $0xFA0, v1;
	v44 =	vmul.f32 v44, v44;
	v47 =	vld.idx.msk [tilespmem:v48+s19+$0x0], $0xffff  }
0xfd: {  	v35 =	vadd.f32 v35, v36;
	v36 =	vmul.f32 v37, v41;
	v37 =	vmul.f32 v45, v45;
	v48 =	vld.idx.msk [tilespmem:v49+s19+$0x0], $0xffff  }
0xfe: {  	v45 =	vadd.s32 $0xFA0, v11;
	v46 =	vmul.f32 v46, v46;
	v49 =	vld.idx.msk [tilespmem:v33+s19+$0x0], $0xffff;
	v33 =	vadd.s32 $0x1388, v2  }
0xff: {  	v35 =	vadd.f32 v36, v35;
	v36 =	vmul.f32 v37, v44;
	v37 =	vmul.f32 v38, v38;
	v50 =	vld.idx.msk [tilespmem:v30+s19+$0x0], $0xffff  }
0x100: {  	v41 =	vadd.s32 $0x1388, v10;
	v30 =	vadd.s32 $0x1388, v0;
	v38 =	vmul.f32 v42, v42;
	v42 =	vld.idx.msk [tilespmem:v13+s20+$0x0], $0xffff  }
0x101: {  	v44 =	vld.idx.msk [tilespmem:v27+s19+$0x0], $0xffff;
	v27 =	vadd.f32 v36, v35;
	v35 =	vmul.f32 v37, v46;
	v36 =	vmul.f32 v43, v43  }
0x102: {  	v43 =	vadd.s32 $0x1388, v9;
	v46 =	vmul.f32 v47, v47;
	v37 =	vld.idx.msk [tilespmem:v28+s19+$0x0], $0xffff;
	v28 =	vadd.s32 $0x1388, v1  }
0x103: {  	v29 =	vld.idx.msk [tilespmem:v29+s19+$0x0], $0xffff;
	v35 =	vadd.f32 v35, v27;
	v36 =	vmul.f32 v36, v38;
	v38 =	vmul.f32 v48, v48  }
0x104: {  	v47 =	vadd.s32 $0x1388, v11;
	v48 =	vmul.f32 v49, v49;
	v27 =	vadd.s32 $0x1770, v2;
	v49 =	vld.idx.msk [tilespmem:v26+s19+$0x0], $0xffff  }
0x105: {  	v50 =	vmul.f32 v50, v50;
	v51 =	vld.idx.msk [tilespmem:v2+s19+$0x0], $0xffff;
	v35 =	vadd.f32 v36, v35;
	v36 =	vmul.f32 v38, v46  }
0x106: {  	v26 =	vadd.s32 $0x1770, v0;
	v46 =	vadd.s32 $0x1770, v10;
	v42 =	vmul.f32 v42, v42;
	v38 =	vld.idx.msk [tilespmem:v10+s19+$0x0], $0xffff  }
0x107: {  	vm1 =	veq.s32 v13, v16;
	v44 =	vmul.f32 v44, v44;
	v52 =	vld.idx.msk [tilespmem:v0+s19+$0x0], $0xffff;
	v35 =	vadd.f32 v36, v35  }
0x108: {  	v36 =	vmul.f32 v50, v48;
	v37 =	vmul.f32 v37, v37;
	v42 =	vnsel vm1, $0x0, v42;
	v13 =	vld.idx.msk [tilespmem:v9+s19+$0x0], $0xffff  }
0x109: {  	v16 =	vadd.s32 $0x1770, v9;
	v29 =	vmul.f32 v29, v29;
	v53 =	vld.idx.msk [tilespmem:v1+s19+$0x0], $0xffff;
	v35 =	vadd.f32 v42, v35  }
0x10a: {  	s15 =	sadd.s32 $0x40, s15;
	v50 =	vadd.s32 $0x1770, v1;
	v54 =	vmul.f32 v37, v44;
	v42 =	vmul.f32 v49, v49;
	v37 =	vld.idx.msk [tilespmem:v11+s19+$0x0], $0xffff  }
0x10b: {  	v44 =	vmul.f32 v51, v51;
	v51 =	vadd.s32 $0x1770, v11;
	v55 =	vld.idx.msk [tilespmem:v25+s19+$0x0], $0xffff;
	v25 =	vadd.s32 $0x1B58, v2;
	[tilespmem:s15+$0x10] =	vst v35  }
0x10c: {  	v48 =	vadd.s32 $0x1B58, v10;
	v35 =	vmul.f32 v38, v38;
	v38 =	vmul.f32 v42, v29;
	v23 =	vld.idx.msk [tilespmem:v23+s19+$0x0], $0xffff  }
0x10d: {  	v49 =	vadd.s32 $0x1B58, v0;
	v42 =	vadd.s32 $0x1B58, v9;
	v29 =	vmul.f32 v52, v52;
	v52 =	vld.idx.msk [tilespmem:v22+s19+$0x0], $0xffff  }
0x10e: {  	v22 =	vmul.f32 v35, v44;
	v56 =	vmul.f32 v13, v13;
	v44 =	vadd.s32 $0x1B58, v1;
	v57 =	vld.idx.msk [tilespmem:v18+s19+$0x0], $0xffff  }
0x10f: {  	v13 =	vadd.s32 $0x1F40, v2;
	v35 =	vadd.s32 $0x1B58, v11;
	v18 =	vmul.f32 v53, v53;
	v20 =	vld.idx.msk [tilespmem:v20+s19+$0x0], $0xffff  }
0x110: {  	v53 =	vadd.f32 v36, v22;
	v29 =	vmul.f32 v56, v29;
	v36 =	vmul.f32 v37, v37;
	v17 =	vld.idx.msk [tilespmem:v17+s19+$0x0], $0xffff  }
0x111: {  	v37 =	vadd.s32 $0x1F40, v10;
	v22 =	vadd.s32 $0x1F40, v0;
	v55 =	vmul.f32 v55, v55;
	v24 =	vld.idx.msk [tilespmem:v24+s19+$0x0], $0xffff  }
0x112: {  	v23 =	vmul.f32 v23, v23;
	v54 =	vadd.f32 v54, v29;
	v56 =	vld.idx.msk [tilespmem:v21+s19+$0x0], $0xffff;
	v21 =	vmul.f32 v36, v18  }
0x113: {  	v29 =	vadd.s32 $0x1F40, v9;
	v52 =	vmul.f32 v52, v52;
	v18 =	vadd.s32 $0x1F40, v1;
	v19 =	vld.idx.msk [tilespmem:v19+s19+$0x0], $0xffff  }
0x114: {  	v23 =	vmul.f32 v23, v55;
	v55 =	vmul.f32 v57, v57;
	v57 =	vld.idx.msk [tilespmem:v15+s19+$0x0], $0xffff;
	v58 =	vadd.f32 v38, v21  }
0x115: {  	v36 =	vadd.s32 $0x1F40, v11;
	v15 =	vadd.s32 $0x2328, v2;
	v20 =	vmul.f32 v20, v20;
	v14 =	vld.idx.msk [tilespmem:v14+s19+$0x0], $0xffff  }
0x116: {  	v23 =	vadd.f32 v23, v53;
	v52 =	vmul.f32 v55, v52;
	v17 =	vmul.f32 v17, v17;
	v53 =	vld.idx.msk [tilespmem:v12+s19+$0x0], $0xffff  }
0x117: {  	v38 =	vadd.s32 $0x2328, v10;
	v21 =	vadd.s32 $0x2328, v0;
	v12 =	vmul.f32 v24, v24;
	v24 =	vld.idx.msk [tilespmem:v31+s19+$0x0], $0xffff  }
0x118: {  	v55 =	vmul.f32 v56, v56;
	v52 =	vadd.f32 v52, v54;
	v17 =	vmul.f32 v17, v20;
	v40 =	vld.idx.msk [tilespmem:v40+s19+$0x0], $0xffff  }
0x119: {  	v31 =	vadd.s32 $0x2328, v9;
	v20 =	vmul.f32 v19, v19;
	v19 =	vadd.s32 $0x2328, v1;
	v34 =	vld.idx.msk [tilespmem:v34+s19+$0x0], $0xffff  }
0x11a: {  	v54 =	vmul.f32 v55, v12;
	v55 =	vmul.f32 v57, v57;
	v17 =	vadd.f32 v17, v58;
	v56 =	vld.idx.msk [tilespmem:v39+s19+$0x0], $0xffff  }
0x11b: {  	v12 =	vadd.s32 $0x2710, v2;
	v14 =	vmul.f32 v14, v14;
	v57 =	vld.idx.msk [tilespmem:v32+s19+$0x0], $0xffff;
	v32 =	vadd.s32 $0x2328, v11  }
0x11c: {  	v54 =	vadd.f32 v54, v23;
	v20 =	vmul.f32 v55, v20;
	v53 =	vmul.f32 v53, v53;
	v45 =	vld.idx.msk [tilespmem:v45+s19+$0x0], $0xffff  }
0x11d: {  	v39 =	vadd.s32 $0x2710, v10;
	v23 =	vadd.s32 $0x2710, v0;
	v24 =	vmul.f32 v24, v24;
	v55 =	vld.idx.msk [tilespmem:v33+s19+$0x0], $0xffff  }
0x11e: {  	v33 =	vmul.f32 v40, v40;
	v52 =	vadd.f32 v20, v52;
	v14 =	vmul.f32 v53, v14;
	v41 =	vld.idx.msk [tilespmem:v41+s19+$0x0], $0xffff  }
0x11f: {  	v20 =	vadd.s32 $0x2710, v1;
	v34 =	vmul.f32 v34, v34;
	v53 =	vld.idx.msk [tilespmem:v30+s19+$0x0], $0xffff;
	v30 =	vadd.s32 $0x2710, v9  }
0x120: {  	v24 =	vmul.f32 v33, v24;
	v40 =	vmul.f32 v56, v56;
	v17 =	vadd.f32 v14, v17;
	v43 =	vld.idx.msk [tilespmem:v43+s19+$0x0], $0xffff  }
0x121: {  	v14 =	vadd.s32 $0x2AF8, v2;
	v33 =	vadd.s32 $0x2710, v11;
	v56 =	vmul.f32 v57, v57;
	v57 =	vld.idx.msk [tilespmem:v28+s19+$0x0], $0xffff  }
0x122: {  	v54 =	vadd.f32 v24, v54;
	v28 =	vmul.f32 v40, v34;
	v34 =	vmul.f32 v45, v45;
	v45 =	vld.idx.msk [tilespmem:v47+s19+$0x0], $0xffff  }
0x123: {  	v40 =	vadd.s32 $0x2AF8, v10;
	v24 =	vadd.s32 $0x2AF8, v0;
	v47 =	vmul.f32 v55, v55;
	v27 =	vld.idx.msk [tilespmem:v27+s19+$0x0], $0xffff  }
0x124: {  	v41 =	vmul.f32 v41, v41;
	v52 =	vadd.f32 v28, v52;
	v34 =	vmul.f32 v34, v56;
	v46 =	vld.idx.msk [tilespmem:v46+s19+$0x0], $0xffff  }
0x125: {  	v28 =	vadd.s32 $0x2AF8, v9;
	v53 =	vmul.f32 v53, v53;
	v55 =	vld.idx.msk [tilespmem:v26+s19+$0x0], $0xffff;
	v26 =	vadd.s32 $0x2AF8, v1  }
0x126: {  	v41 =	vmul.f32 v41, v47;
	v43 =	vmul.f32 v43, v43;
	v17 =	vadd.f32 v34, v17;
	v47 =	vld.idx.msk [tilespmem:v16+s19+$0x0], $0xffff  }
0x127: {  	v34 =	vadd.s32 $0x2AF8, v11;
	v16 =	vadd.s32 $0x2EE0, v2;
	v56 =	vmul.f32 v57, v57;
	v50 =	vld.idx.msk [tilespmem:v50+s19+$0x0], $0xffff  }
0x128: {  	v54 =	vadd.f32 v41, v54;
	v43 =	vmul.f32 v43, v53;
	v45 =	vmul.f32 v45, v45;
	v51 =	vld.idx.msk [tilespmem:v51+s19+$0x0], $0xffff  }
0x129: {  	v41 =	vadd.s32 $0x2EE0, v10;
	v53 =	vmul.f32 v27, v27;
	v57 =	vld.idx.msk [tilespmem:v25+s19+$0x0], $0xffff;
	v25 =	vadd.s32 $0x2EE0, v0  }
0x12a: {  	v46 =	vmul.f32 v46, v46;
	v52 =	vadd.f32 v43, v52;
	v45 =	vmul.f32 v45, v56;
	v48 =	vld.idx.msk [tilespmem:v48+s19+$0x0], $0xffff  }
0x12b: {  	v27 =	vadd.s32 $0x2EE0, v1;
	v43 =	vadd.s32 $0x2EE0, v9;
	v55 =	vmul.f32 v55, v55;
	v49 =	vld.idx.msk [tilespmem:v49+s19+$0x0], $0xffff  }
0x12c: {  	v46 =	vmul.f32 v46, v53;
	v47 =	vmul.f32 v47, v47;
	v45 =	vadd.f32 v45, v17;
	v53 =	vld.idx.msk [tilespmem:v42+s19+$0x0], $0xffff  }
0x12d: {  	v17 =	vadd.s32 $0x32C8, v2;
	v50 =	vmul.f32 v50, v50;
	v42 =	vadd.s32 $0x2EE0, v11;
	v56 =	vld.idx.msk [tilespmem:v44+s19+$0x0], $0xffff  }
0x12e: {  	v46 =	vadd.f32 v46, v54;
	v47 =	vmul.f32 v47, v55;
	v51 =	vmul.f32 v51, v51;
	v54 =	vld.idx.msk [tilespmem:v35+s19+$0x0], $0xffff  }
0x12f: {  	v44 =	vadd.s32 $0x32C8, v10;
	v55 =	vmul.f32 v57, v57;
	v57 =	vld.idx.msk [tilespmem:v13+s19+$0x0], $0xffff;
	v13 =	vadd.s32 $0x32C8, v0  }
0x130: {  	v48 =	vmul.f32 v48, v48;
	v47 =	vadd.f32 v47, v52;
	v50 =	vmul.f32 v51, v50;
	v58 =	vld.idx.msk [tilespmem:v37+s19+$0x0], $0xffff  }
0x131: {  	v35 =	vadd.s32 $0x32C8, v1;
	v49 =	vmul.f32 v49, v49;
	v37 =	vadd.s32 $0x32C8, v9;
	v51 =	vld.idx.msk [tilespmem:v22+s19+$0x0], $0xffff  }
0x132: {  	v48 =	vmul.f32 v48, v55;
	v52 =	vmul.f32 v53, v53;
	v45 =	vadd.f32 v50, v45;
	v53 =	vld.idx.msk [tilespmem:v29+s19+$0x0], $0xffff  }
0x133: {  	v22 =	vadd.s32 $0x36B0, v2;
	v50 =	vmul.f32 v56, v56;
	v29 =	vadd.s32 $0x32C8, v11;
	v55 =	vld.idx.msk [tilespmem:v18+s19+$0x0], $0xffff  }
0x134: {  	v46 =	vadd.f32 v48, v46;
	v18 =	vmul.f32 v52, v49;
	v48 =	vmul.f32 v54, v54;
	v49 =	vld.idx.msk [tilespmem:v36+s19+$0x0], $0xffff  }
0x135: {  	v52 =	vmul.f32 v57, v57;
	v36 =	vadd.s32 $0x36B0, v10;
	v54 =	vld.idx.msk [tilespmem:v15+s19+$0x0], $0xffff;
	v15 =	vadd.s32 $0x36B0, v0  }
0x136: {  	v56 =	vmul.f32 v58, v58;
	v47 =	vadd.f32 v18, v47;
	v18 =	vmul.f32 v48, v50;
	v57 =	vld.idx.msk [tilespmem:v38+s19+$0x0], $0xffff  }
0x137: {  	v48 =	vmul.f32 v51, v51;
	v38 =	vadd.s32 $0x36B0, v9;
	v50 =	vld.idx.msk [tilespmem:v21+s19+$0x0], $0xffff;
	v21 =	vadd.s32 $0x36B0, v1  }
0x138: {  	v51 =	vmul.f32 v56, v52;
	v52 =	vmul.f32 v53, v53;
	v45 =	vadd.f32 v18, v45;
	v53 =	vld.idx.msk [tilespmem:v31+s19+$0x0], $0xffff  }
0x139: {  	v18 =	vadd.s32 $0x3A98, v2;
	v55 =	vmul.f32 v55, v55;
	v56 =	vld.idx.msk [tilespmem:v19+s19+$0x0], $0xffff;
	v19 =	vadd.s32 $0x36B0, v11  }
0x13a: {  	v46 =	vadd.f32 v51, v46;
	v48 =	vmul.f32 v52, v48;
	v49 =	vmul.f32 v49, v49;
	v51 =	vld.idx.msk [tilespmem:v32+s19+$0x0], $0xffff  }
0x13b: {  	v31 =	vadd.s32 $0x3A98, v10;
	v52 =	vmul.f32 v54, v54;
	v54 =	vld.idx.msk [tilespmem:v12+s19+$0x0], $0xffff;
	v12 =	vadd.s32 $0x3A98, v0  }
0x13c: {  	v57 =	vmul.f32 v57, v57;
	v47 =	vadd.f32 v48, v47;
	v48 =	vmul.f32 v49, v55;
	v39 =	vld.idx.msk [tilespmem:v39+s19+$0x0], $0xffff  }
0x13d: {  	v32 =	vadd.s32 $0x3A98, v9;
	v49 =	vmul.f32 v50, v50;
	v50 =	vld.idx.msk [tilespmem:v23+s19+$0x0], $0xffff;
	v23 =	vadd.s32 $0x3A98, v1  }
0x13e: {  	v52 =	vmul.f32 v57, v52;
	v53 =	vmul.f32 v53, v53;
	v45 =	vadd.f32 v48, v45;
	v30 =	vld.idx.msk [tilespmem:v30+s19+$0x0], $0xffff  }
0x13f: {  	vm1 =	veq.s32 v2, v10;
	v10 =	vadd.s32 $0x3A98, v11;
	v48 =	vmul.f32 v56, v56;
	v20 =	vld.idx.msk [tilespmem:v20+s19+$0x0], $0xffff  }
0x140: {  	v46 =	vadd.f32 v52, v46;
	v49 =	vmul.f32 v53, v49;
	v51 =	vmul.f32 v51, v51;
	v33 =	vld.idx.msk [tilespmem:v33+s19+$0x0], $0xffff  }
0x141: {  	vm2 =	veq.s32 v0, v9;
	vm3 =	veq.s32 v1, v11;
	v52 =	vmul.f32 v54, v54;
	v14 =	vld.idx.msk [tilespmem:v14+s19+$0x0], $0xffff  }
0x142: {  	v9 =	vmul.f32 v39, v39;
	v39 =	vadd.f32 v49, v47;
	v11 =	vld.idx.msk [tilespmem:v40+s19+$0x0], $0xffff;
	v40 =	vmul.f32 v51, v48  }
0x143: {  	v4 =	vadd.f32 v7, v4;
	v7 =	vnsel vm0, $0x0, v8;
	v47 =	vmul.f32 v50, v50;
	v24 =	vld.idx.msk [tilespmem:v24+s19+$0x0], $0xffff  }
0x144: {  	v8 =	vmul.f32 v9, v52;
	v9 =	vmul.f32 v30, v30;
	v28 =	vld.idx.msk [tilespmem:v28+s19+$0x0], $0xffff;
	v30 =	vadd.f32 v40, v45  }
0x145: {  	v3 =	vadd.f32 v5, v3;
	v5 =	vadd.f32 v7, v6;
	v20 =	vmul.f32 v20, v20;
	v26 =	vld.idx.msk [tilespmem:v26+s19+$0x0], $0xffff  }
0x146: {  	v6 =	vadd.f32 v8, v46;
	v7 =	vmul.f32 v9, v47;
	v8 =	vmul.f32 v33, v33;
	v9 =	vld.idx.msk [tilespmem:v34+s19+$0x0], $0xffff  }
0x147: {  	vm0 =	vmmov vm3;
	v14 =	vmul.f32 v14, v14;
	v16 =	vld.idx.msk [tilespmem:v16+s19+$0x0], $0xffff;
	[tilespmem:s29+$0xFFFFFFE0] =	vst v4  }
0x148: {  	v4 =	vmul.f32 v11, v11;
	v7 =	vadd.f32 v7, v39;
	v8 =	vmul.f32 v8, v20;
	v11 =	vld.idx.msk [tilespmem:v41+s19+$0x0], $0xffff  }
0x149: {  	v20 =	vmul.f32 v24, v24;
	v24 =	vld.idx.msk [tilespmem:v25+s19+$0x0], $0xffff;
	[tilespmem:s29+$0xFFFFFFF0] =	vst v3  }
0x14a: {  	v3 =	vmul.f32 v4, v14;
	v4 =	vmul.f32 v28, v28;
	v8 =	vadd.f32 v8, v30;
	v14 =	vld.idx.msk [tilespmem:v43+s19+$0x0], $0xffff  }
0x14b: {  	v25 =	vmul.f32 v26, v26;
	v26 =	vld.idx.msk [tilespmem:v27+s19+$0x0], $0xffff;
	[tilespmem:s29+$0x0] =	vst v5;
	s29 =	smov.u32 s15  }
0x14c: {  	v3 =	vadd.f32 v3, v6;
	v4 =	vmul.f32 v4, v20;
	v5 =	vmul.f32 v9, v9;
	v6 =	vld.idx.msk [tilespmem:v42+s19+$0x0], $0xffff  }
0x14d: {  	v9 =	vmul.f32 v16, v16;
	v16 =	vld.idx.msk [tilespmem:v17+s19+$0x0], $0xffff  }
0x14e: {  	v11 =	vmul.f32 v11, v11;
	v4 =	vadd.f32 v4, v7;
	v5 =	vmul.f32 v5, v25;
	v17 =	vld.idx.msk [tilespmem:v44+s19+$0x0], $0xffff  }
0x14f: {  	v7 =	vmul.f32 v24, v24;
	v13 =	vld.idx.msk [tilespmem:v13+s19+$0x0], $0xffff  }
0x150: {  	v9 =	vmul.f32 v11, v9;
	v11 =	vmul.f32 v14, v14;
	v5 =	vadd.f32 v5, v8;
	v14 =	vld.idx.msk [tilespmem:v37+s19+$0x0], $0xffff  }
0x151: {  	v8 =	vmul.f32 v26, v26;
	v20 =	vld.idx.msk [tilespmem:v35+s19+$0x0], $0xffff  }
0x152: {  	v3 =	vadd.f32 v9, v3;
	v7 =	vmul.f32 v11, v7;
	v6 =	vmul.f32 v6, v6;
	v9 =	vld.idx.msk [tilespmem:v29+s19+$0x0], $0xffff  }
0x153: {  	v11 =	vmul.f32 v16, v16;
	v16 =	vld.idx.msk [tilespmem:v22+s19+$0x0], $0xffff  }
0x154: {  	v17 =	vmul.f32 v17, v17;
	v4 =	vadd.f32 v7, v4;
	v6 =	vmul.f32 v6, v8;
	v22 =	vld.idx.msk [tilespmem:v36+s19+$0x0], $0xffff  }
0x155: {  	v7 =	vmul.f32 v13, v13;
	v8 =	vld.idx.msk [tilespmem:v15+s19+$0x0], $0xffff  }
0x156: {  	v11 =	vmul.f32 v17, v11;
	v13 =	vmul.f32 v14, v14;
	v5 =	vadd.f32 v6, v5;
	v14 =	vld.idx.msk [tilespmem:v38+s19+$0x0], $0xffff  }
0x157: {  	v6 =	vmul.f32 v20, v20;
	v15 =	vld.idx.msk [tilespmem:v21+s19+$0x0], $0xffff  }
0x158: {  	v11 =	vadd.f32 v11, v3;
	v3 =	vmul.f32 v13, v7;
	v7 =	vmul.f32 v9, v9;
	v9 =	vld.idx.msk [tilespmem:v19+s19+$0x0], $0xffff  }
0x159: {  	v13 =	vmul.f32 v16, v16;
	v16 =	vld.idx.msk [tilespmem:v18+s19+$0x0], $0xffff  }
0x15a: {  	v17 =	vmul.f32 v22, v22;
	v19 =	vadd.f32 v3, v4;
	v4 =	vmul.f32 v7, v6;
	v18 =	vld.idx.msk [tilespmem:v31+s19+$0x0], $0xffff  }
0x15b: {  	v8 =	vmul.f32 v8, v8;
	v20 =	vld.idx.msk [tilespmem:v12+s19+$0x0], $0xffff  }
0x15c: {  	v6 =	vmul.f32 v17, v13;
	v12 =	vmul.f32 v14, v14;
	v7 =	vadd.f32 v4, v5;
	v3 =	vld.idx.msk [tilespmem:v32+s19+$0x0], $0xffff  }
.Ltmp4:
0x15d: {  	v13 =	vmul.f32 v15, v15;
	v4 =	vld.idx.msk [tilespmem:v23+s19+$0x0], $0xffff;
	(pc) =	sbr.rel @p2 .LBB2_3-.Ltmp4, $4  }
0x15e: {  	v6 =	vadd.f32 v6, v11;
	v8 =	vmul.f32 v12, v8;
	v9 =	vmul.f32 v9, v9;
	v5 =	vld.idx.msk [tilespmem:v10+s19+$0x0], $0xffff  }
0x15f: {  	v10 =	vmul.f32 v16, v16;
	v2 =	vld.idx.msk [tilespmem:v2+s20+$0x0], $0xffff  }
0x160: {  	v14 =	vmul.f32 v18, v18;
	v11 =	vadd.f32 v8, v19;
	v15 =	vmul.f32 v9, v13;
	v12 =	vld.idx.msk [tilespmem:v0+s20+$0x0], $0xffff  }
0x161: {  	s14 =	sadd.s32 $0x40, s14;
	v9 =	vmul.f32 v20, v20;
	v8 =	vld.idx.msk [tilespmem:v1+s20+$0x0], $0xffff  }
.LBB2_4:
0x162: {  	_ = 	snop  }
0x163: {  	v0 =	vmul.f32 v14, v10;
	v1 =	vmul.f32 v3, v3  }
0x164: {  	v58 =	vmul.f32 v4, v4;
	v59 =	vmul.f32 v5, v5  }
0x165: {  	v60 =	vadd.f32 v15, v7;
	v1 =	vmul.f32 v1, v9;
	v2 =	vmul.f32 v2, v2  }
0x166: {  	v0 =	vadd.f32 v0, v6;
	v61 =	vmul.f32 v12, v12;
	v3 =	vmul.f32 v59, v58  }
0x167: {  	v1 =	vadd.f32 v1, v11;
	v2 =	vnsel vm1, $0x0, v2;
	v62 =	vmul.f32 v8, v8  }
0x168: {  	v6 =	vnsel vm2, $0x0, v61;
	v0 =	vadd.f32 v2, v0;
	v3 =	vadd.f32 v3, v60  }
0x169: {  	v63 =	vnsel vm0, $0x0, v62;
	v1 =	vadd.f32 v6, v1  }
0x16a: {  	[tilespmem:s29+$0xFFFFFFE0] =	vst v0;
	v2 =	vadd.f32 v63, v3  }
0x16b: {  	[tilespmem:s29+$0xFFFFFFF0] =	vst v1  }
0x16c: {  	[tilespmem:s29+$0x0] =	vst v2  }
.LBB2_5:
0x16d: {  	_ =	swait.ge [sflag:s24], $0x3E80  }
.Ltmp5:
0x16e: {  	[sflag:s24] =	ssyncset.done $0x0;
	(pc) =	sbr.rel @!p1 .LBB2_9-.Ltmp5, $4  }
0x16f: {  	[sflag:s24] =	ssyncadd.s32 $0xFFFFC180  }
0x170: {  	_ =	swait.ge [sflag:s24], $0x400  }
0x171: {  	[sflag:s24] =	ssyncset.done $0x0  }
0x172: {  	[sflag:s24] =	ssyncadd.s32 $0xFFFFFC00  }
0x173: {  	v6 =	vld [tilespmem:s11+$0x30]  }
0x174: {  	v7 =	vld [tilespmem:s1+$0x30]  }
0x175: {  	v5 =	vld [tilespmem:s1+$0x0]  }
0x176: {  	v1 =	vld [tilespmem:s11+$0x10]  }
0x177: {  	v4 =	vld [tilespmem:s1+$0x10]  }
0x178: {  	v3 =	vld [tilespmem:s1+$0x20]  }
0x179: {  	v0 =	vld [tilespmem:s11+$0x20]  }
0x17a: {  	v2 =	vld [tilespmem:s11+$0x0]  }
0x17b: {  	v11 =	vld.idx.msk [tilespmem:v6+s21+$0x0], $0xffff  }
0x17c: {  	v8 =	vadd.s32 $0x3E8, v6;
	v13 =	vld.idx.msk [tilespmem:v7+s21+$0x0], $0xffff  }
0x17d: {  	v9 =	vadd.s32 $0x3E8, v7;
	v42 =	vld.idx.msk [tilespmem:v6+s22+$0x0], $0xffff  }
0x17e: {  	v10 =	vadd.s32 $0x7D0, v6;
	v44 =	vld.idx.msk [tilespmem:v5+s21+$0x0], $0xffff  }
0x17f: {  	v12 =	vadd.s32 $0x7D0, v7;
	v46 =	vld.idx.msk [tilespmem:v4+s21+$0x0], $0xffff  }
0x180: {  	v14 =	vadd.s32 $0xBB8, v6;
	v48 =	vld.idx.msk [tilespmem:v3+s21+$0x0], $0xffff  }
0x181: {  	v15 =	vadd.s32 $0xBB8, v7;
	v8 =	vld.idx.msk [tilespmem:v8+s21+$0x0], $0xffff  }
0x182: {  	v16 =	vadd.s32 $0xFA0, v6;
	v9 =	vld.idx.msk [tilespmem:v9+s21+$0x0], $0xffff  }
0x183: {  	v17 =	vadd.s32 $0xFA0, v7;
	v10 =	vld.idx.msk [tilespmem:v10+s21+$0x0], $0xffff  }
0x184: {  	v18 =	vadd.s32 $0x1388, v6;
	v12 =	vld.idx.msk [tilespmem:v12+s21+$0x0], $0xffff  }
0x185: {  	v19 =	vadd.s32 $0x1388, v7;
	v14 =	vld.idx.msk [tilespmem:v14+s21+$0x0], $0xffff  }
0x186: {  	v20 =	vadd.s32 $0x1770, v6;
	v15 =	vld.idx.msk [tilespmem:v15+s21+$0x0], $0xffff  }
0x187: {  	v21 =	vadd.s32 $0x1770, v7;
	v16 =	vld.idx.msk [tilespmem:v16+s21+$0x0], $0xffff  }
0x188: {  	v22 =	vadd.s32 $0x1B58, v6;
	v17 =	vld.idx.msk [tilespmem:v17+s21+$0x0], $0xffff  }
0x189: {  	v23 =	vadd.s32 $0x1B58, v7;
	v18 =	vld.idx.msk [tilespmem:v18+s21+$0x0], $0xffff  }
0x18a: {  	v24 =	vadd.s32 $0x1F40, v6;
	v19 =	vld.idx.msk [tilespmem:v19+s21+$0x0], $0xffff  }
0x18b: {  	v25 =	vadd.s32 $0x1F40, v7;
	v20 =	vld.idx.msk [tilespmem:v20+s21+$0x0], $0xffff  }
0x18c: {  	v26 =	vadd.s32 $0x2328, v6;
	v27 =	vadd.s32 $0x3E8, v5;
	v28 =	vadd.s32 $0x2328, v7;
	v21 =	vld.idx.msk [tilespmem:v21+s21+$0x0], $0xffff  }
0x18d: {  	v29 =	vadd.s32 $0x7D0, v5;
	v30 =	vadd.s32 $0x3E8, v1;
	v31 =	vadd.s32 $0x2710, v6;
	v22 =	vld.idx.msk [tilespmem:v22+s21+$0x0], $0xffff  }
0x18e: {  	v32 =	vadd.s32 $0x7D0, v1;
	v33 =	vadd.s32 $0x3E8, v4;
	v34 =	vadd.s32 $0x2710, v7;
	v23 =	vld.idx.msk [tilespmem:v23+s21+$0x0], $0xffff  }
0x18f: {  	v35 =	vadd.s32 $0x2AF8, v6;
	v36 =	vadd.s32 $0x2AF8, v7;
	v38 =	vadd.s32 $0x3E8, v0;
	v24 =	vld.idx.msk [tilespmem:v24+s21+$0x0], $0xffff  }
0x190: {  	v49 =	vadd.s32 $0x2EE0, v7;
	v37 =	vadd.s32 $0x7D0, v4;
	v59 =	vadd.s32 $0xFA0, v5;
	v25 =	vld.idx.msk [tilespmem:v25+s21+$0x0], $0xffff  }
0x191: {  	v39 =	vadd.s32 $0x32C8, v6;
	v50 =	vadd.s32 $0x36B0, v6;
	v40 =	vadd.s32 $0x3E8, v2;
	v26 =	vld.idx.msk [tilespmem:v26+s21+$0x0], $0xffff  }
0x192: {  	v41 =	vadd.s32 $0x3A98, v7;
	v51 =	vadd.s32 $0x3E8, v3;
	v52 =	vadd.s32 $0x7D0, v2;
	v28 =	vld.idx.msk [tilespmem:v28+s21+$0x0], $0xffff  }
0x193: {  	v56 =	vadd.s32 $0xBB8, v0;
	v58 =	vadd.s32 $0xFA0, v2;
	v60 =	vadd.s32 $0xFA0, v1;
	v34 =	vld.idx.msk [tilespmem:v34+s21+$0x0], $0xffff  }
0x194: {  	v43 =	vadd.s32 $0xFA0, v4;
	v57 =	vld.idx.msk [tilespmem:v38+s21+$0x0], $0xffff;
	v11 =	vmul.f32 v11, v11;
	v13 =	vmul.f32 v13, v13  }
0x195: {  	v61 =	vadd.s32 $0xFA0, v0;
	v38 =	vld.idx.msk [tilespmem:v59+s21+$0x0], $0xffff;
	v42 =	vmul.f32 v42, v42;
	v59 =	vmul.f32 v48, v48  }
0x196: {  	v45 =	vadd.s32 $0x1388, v2;
	v39 =	vld.idx.msk [tilespmem:v39+s21+$0x0], $0xffff;
	v8 =	vmul.f32 v8, v8;
	v9 =	vmul.f32 v9, v9  }
0x197: {  	v47 =	vadd.s32 $0x1388, v5;
	v29 =	vld.idx.msk [tilespmem:v29+s21+$0x0], $0xffff;
	v11 =	vmul.f32 v13, v11;
	v10 =	vmul.f32 v10, v10  }
0x198: {  	v62 =	vadd.s32 $0x1388, v4;
	v36 =	vld.idx.msk [tilespmem:v36+s21+$0x0], $0xffff;
	v14 =	vmul.f32 v14, v14;
	v15 =	vmul.f32 v15, v15  }
0x199: {  	v55 =	vld.idx.msk [tilespmem:v30+s21+$0x0], $0xffff;
	v30 =	vadd.s32 $0xBB8, v3;
	v16 =	vmul.f32 v16, v16;
	v18 =	vmul.f32 v18, v18  }
0x19a: {  	vm0 =	veq.s32 v6, v7;
	v53 =	vld.idx.msk [tilespmem:v41+s21+$0x0], $0xffff;
	v20 =	vmul.f32 v20, v20;
	v22 =	vmul.f32 v22, v22  }
0x19b: {  	vm1 =	veq.s32 v2, v5;
	v37 =	vld.idx.msk [tilespmem:v37+s21+$0x0], $0xffff;
	v24 =	vmul.f32 v24, v24;
	v26 =	vmul.f32 v26, v26  }
0x19c: {  	vm2 =	veq.s32 v1, v4;
	v54 =	vld.idx.msk [tilespmem:v27+s21+$0x0], $0xffff;
	v39 =	vmul.f32 v39, v39;
	v29 =	vmul.f32 v29, v29  }
0x19d: {  	v41 =	vadd.s32 $0xBB8, v5;
	v47 =	vld.idx.msk [tilespmem:v47+s21+$0x0], $0xffff;
	v8 =	vmul.f32 v9, v8;
	v9 =	vmul.f32 v12, v12  }
0x19e: {  	v13 =	vadd.s32 $0x2EE0, v6;
	v30 =	vld.idx.msk [tilespmem:v30+s21+$0x0], $0xffff;
	v14 =	vmul.f32 v15, v14;
	v15 =	vmul.f32 v17, v17  }
0x19f: {  	v12 =	vld.idx.msk [tilespmem:v31+s21+$0x0], $0xffff;
	v17 =	vadd.s32 $0x3A98, v6;
	v8 =	vadd.f32 v8, v11;
	v9 =	vmul.f32 v9, v10  }
0x1a0: {  	v27 =	vadd.s32 $0xBB8, v4;
	v37 =	vmul.f32 v37, v37;
	v38 =	vmul.f32 v38, v38;
	v31 =	vld.idx.msk [tilespmem:v49+s21+$0x0], $0xffff  }
0x1a1: {  	v6 =	vnsel vm0, $0x0, v42;
	v42 =	vadd.s32 $0x1B58, v5;
	v10 =	vld.idx.msk [tilespmem:v35+s21+$0x0], $0xffff;
	v8 =	vadd.f32 v9, v8  }
0x1a2: {  	v47 =	vmul.f32 v47, v47;
	v49 =	vadd.s32 $0x1388, v3;
	vm0 =	veq.s32 v0, v3;
	v35 =	vld.idx.msk [tilespmem:v50+s21+$0x0], $0xffff  }
0x1a3: {  	v11 =	vadd.s32 $0x32C8, v7;
	v9 =	vld.idx.msk [tilespmem:v13+s21+$0x0], $0xffff;
	v8 =	vadd.f32 v14, v8;
	v14 =	vmul.f32 v15, v16  }
0x1a4: {  	v50 =	vadd.s32 $0x1F40, v2;
	v30 =	vmul.f32 v30, v30;
	v17 =	vld.idx.msk [tilespmem:v17+s21+$0x0], $0xffff;
	v15 =	vmul.f32 v19, v19  }
0x1a5: {  	v63 =	vld.idx.msk [tilespmem:v32+s21+$0x0], $0xffff;
	v13 =	vadd.s32 $0x36B0, v7;
	v12 =	vmul.f32 v12, v12;
	v8 =	vadd.f32 v14, v8  }
0x1a6: {  	v42 =	vld.idx.msk [tilespmem:v42+s21+$0x0], $0xffff;
	v14 =	vmul.f32 v15, v18;
	v15 =	vmul.f32 v21, v21;
	v18 =	vadd.s32 $0x7D0, v3  }
0x1a7: {  	v40 =	vld.idx.msk [tilespmem:v40+s21+$0x0], $0xffff;
	v10 =	vmul.f32 v10, v10;
	v35 =	vmul.f32 v35, v35;
	v21 =	vadd.s32 $0x1388, v1  }
0x1a8: {  	v62 =	vld.idx.msk [tilespmem:v62+s21+$0x0], $0xffff;
	v8 =	vadd.f32 v14, v8;
	v14 =	vmul.f32 v15, v20;
	v15 =	vmul.f32 v23, v23  }
0x1a9: {  	v16 =	vadd.s32 $0x7D0, v0;
	v11 =	vld.idx.msk [tilespmem:v11+s21+$0x0], $0xffff;
	v9 =	vmul.f32 v9, v9;
	v17 =	vmul.f32 v17, v17  }
0x1aa: {  	v13 =	vld.idx.msk [tilespmem:v13+s21+$0x0], $0xffff;
	v8 =	vadd.f32 v14, v8;
	v14 =	vmul.f32 v15, v22;
	v15 =	vmul.f32 v25, v25  }
0x1ab: {  	v23 =	vadd.s32 $0xBB8, v2;
	v20 =	vmul.f32 v63, v63;
	v42 =	vmul.f32 v42, v42;
	v18 =	vld.idx.msk [tilespmem:v18+s21+$0x0], $0xffff  }
0x1ac: {  	v22 =	vadd.s32 $0x1770, v1;
	v21 =	vld.idx.msk [tilespmem:v21+s21+$0x0], $0xffff;
	v8 =	vadd.f32 v14, v8;
	v14 =	vmul.f32 v15, v24  }
0x1ad: {  	v63 =	vadd.s32 $0x2328, v1;
	v15 =	vmul.f32 v28, v28;
	v24 =	vmul.f32 v55, v55;
	v55 =	vld.idx.msk [tilespmem:v27+s21+$0x0], $0xffff  }
0x1ae: {  	v25 =	vadd.s32 $0xBB8, v1;
	v20 =	vmul.f32 v37, v20;
	v27 =	vadd.s32 $0x1B58, v2;
	v28 =	vld.idx.msk [tilespmem:v56+s21+$0x0], $0xffff  }
0x1af: {  	v8 =	vadd.f32 v14, v8;
	v14 =	vmul.f32 v15, v26;
	v15 =	vmul.f32 v34, v34;
	v34 =	vld.idx.msk [tilespmem:v58+s21+$0x0], $0xffff  }
0x1b0: {  	v37 =	vmul.f32 v62, v62;
	v62 =	vadd.s32 $0x2EE0, v5;
	v56 =	vmul.f32 v44, v44;
	v58 =	vld.idx.msk [tilespmem:v43+s21+$0x0], $0xffff  }
0x1b1: {  	v44 =	vadd.s32 $0x1B58, v4;
	v26 =	vmul.f32 v57, v57;
	v57 =	vmul.f32 v46, v46;
	v22 =	vld.idx.msk [tilespmem:v22+s21+$0x0], $0xffff  }
0x1b2: {  	v46 =	vadd.s32 $0x1B58, v0;
	v43 =	vadd.s32 $0x2EE0, v4;
	v12 =	vmul.f32 v15, v12;
	v15 =	vld.idx.msk [tilespmem:v2+s21+$0x0], $0xffff  }
0x1b3: {  	v8 =	vadd.f32 v14, v8;
	v14 =	vmul.f32 v36, v36;
	v36 =	vld.idx.msk [tilespmem:v60+s21+$0x0], $0xffff;
	v18 =	vmul.f32 v18, v18  }
0x1b4: {  	v60 =	vadd.s32 $0x1F40, v5;
	v21 =	vmul.f32 v21, v21;
	v28 =	vmul.f32 v28, v28;
	v27 =	vld.idx.msk [tilespmem:v27+s21+$0x0], $0xffff  }
0x1b5: {  	v8 =	vadd.f32 v12, v8;
	v10 =	vmul.f32 v14, v10;
	v12 =	vmul.f32 v31, v31;
	v14 =	vld.idx.msk [tilespmem:v1+s21+$0x0], $0xffff  }
0x1b6: {  	v31 =	vld.idx.msk [tilespmem:v61+s21+$0x0], $0xffff;
	v61 =	vadd.s32 $0x1F40, v4;
	v21 =	vmul.f32 v37, v21;
	v28 =	vmul.f32 v30, v28  }
0x1b7: {  	v49 =	vld.idx.msk [tilespmem:v49+s21+$0x0], $0xffff;
	v8 =	vadd.f32 v10, v8;
	v9 =	vmul.f32 v12, v9;
	v10 =	vmul.f32 v11, v11  }
0x1b8: {  	v46 =	vld.idx.msk [tilespmem:v46+s21+$0x0], $0xffff;
	v12 =	vadd.s32 $0xFA0, v3;
	v22 =	vmul.f32 v22, v22;
	v15 =	vmul.f32 v15, v15  }
0x1b9: {  	v11 =	vld.idx.msk [tilespmem:v0+s21+$0x0], $0xffff;
	v8 =	vadd.f32 v9, v8;
	v9 =	vmul.f32 v10, v39;
	v10 =	vmul.f32 v13, v13  }
0x1ba: {  	v13 =	vld.idx.msk [tilespmem:v52+s21+$0x0], $0xffff;
	v52 =	vadd.s32 $0x1388, v0;
	v27 =	vmul.f32 v27, v27;
	v14 =	vmul.f32 v14, v14  }
0x1bb: {  	v48 =	vld.idx.msk [tilespmem:v60+s21+$0x0], $0xffff;
	v39 =	vadd.s32 $0x2328, v5;
	v15 =	vmul.f32 v56, v15;
	v56 =	vmul.f32 v34, v34  }
0x1bc: {  	v34 =	vadd.s32 $0x2710, v5;
	v31 =	vmul.f32 v31, v31;
	v60 =	vld.idx.msk [tilespmem:v61+s21+$0x0], $0xffff;
	v61 =	vmul.f32 v49, v49  }
0x1bd: {  	v45 =	vld.idx.msk [tilespmem:v45+s21+$0x0], $0xffff;
	v8 =	vadd.f32 v9, v8;
	v9 =	vmul.f32 v10, v35;
	v10 =	vmul.f32 v53, v53  }
0x1be: {  	v33 =	vld.idx.msk [tilespmem:v33+s21+$0x0], $0xffff;
	v53 =	vmul.f32 v40, v40;
	v40 =	vadd.s32 $0x1770, v2;
	v27 =	vmul.f32 v42, v27  }
0x1bf: {  	v25 =	vld.idx.msk [tilespmem:v25+s21+$0x0], $0xffff;
	v35 =	vadd.s32 $0x1770, v3;
	v46 =	vmul.f32 v46, v46;
	v11 =	vmul.f32 v11, v11  }
0x1c0: {  	v50 =	vld.idx.msk [tilespmem:v50+s21+$0x0], $0xffff;
	v14 =	vmul.f32 v57, v14;
	v57 =	vmul.f32 v36, v36;
	v36 =	vadd.s32 $0x2710, v4  }
0x1c1: {  	v8 =	vadd.f32 v9, v8;
	v9 =	vmul.f32 v10, v17;
	v10 =	vld.idx.msk [tilespmem:v16+s21+$0x0], $0xffff;
	v16 =	vmul.f32 v54, v54  }
0x1c2: {  	v17 =	vadd.s32 $0x1770, v5;
	v54 =	vld.idx.msk [tilespmem:v41+s21+$0x0], $0xffff;
	v41 =	vmul.f32 v58, v58;
	v58 =	vmul.f32 v45, v45  }
0x1c3: {  	v45 =	vadd.s32 $0x2AF8, v5;
	v48 =	vmul.f32 v48, v48;
	v13 =	vmul.f32 v13, v13  }
0x1c4: {  	v11 =	vmul.f32 v59, v11;
	v32 =	vld.idx.msk [tilespmem:v52+s21+$0x0], $0xffff;
	v52 =	vmul.f32 v25, v25;
	v59 =	vadd.s32 $0x2AF8, v0  }
0x1c5: {  	v19 =	vld.idx.msk [tilespmem:v51+s21+$0x0], $0xffff;
	v8 =	vadd.f32 v9, v8;
	v7 =	vmul.f32 v16, v53;
	v16 =	vmul.f32 v33, v33  }
0x1c6: {  	v12 =	vld.idx.msk [tilespmem:v12+s21+$0x0], $0xffff;
	v33 =	vadd.s32 $0x1770, v4;
	v53 =	vadd.s32 $0x2328, v4;
	v30 =	vmul.f32 v41, v57  }
0x1c7: {  	v41 =	vld.idx.msk [tilespmem:v44+s21+$0x0], $0xffff;
	v44 =	vmul.f32 v47, v58;
	v57 =	vadd.s32 $0x32C8, v0;
	v58 =	vmul.f32 v50, v50  }
0x1c8: {  	v50 =	vadd.s32 $0x36B0, v5;
	v37 =	vmul.f32 v60, v60;
	v47 =	vadd.s32 $0x3A98, v5  }
0x1c9: {  	v13 =	vmul.f32 v29, v13;
	v29 =	vadd.s32 $0x1F40, v0;
	v6 =	vadd.f32 v6, v8  }
0x1ca: {  	v39 =	vld.idx.msk [tilespmem:v39+s21+$0x0], $0xffff;
	v8 =	vmul.f32 v16, v24;
	v16 =	vmul.f32 v19, v19;
	v24 =	vadd.s32 $0x1770, v0  }
0x1cb: {  	v9 =	vld.idx.msk [tilespmem:v23+s21+$0x0], $0xffff;
	v7 =	vadd.f32 v7, v15;
	v19 =	vmul.f32 v55, v55;
	v12 =	vmul.f32 v12, v12  }
0x1cc: {  	v34 =	vld.idx.msk [tilespmem:v34+s21+$0x0], $0xffff;
	v15 =	vadd.s32 $0x1B58, v3;
	v10 =	vmul.f32 v10, v10;
	v23 =	vmul.f32 v54, v54  }
0x1cd: {  	v40 =	vld.idx.msk [tilespmem:v40+s21+$0x0], $0xffff;
	v54 =	vadd.s32 $0x2328, v0;
	v16 =	vmul.f32 v16, v26;
	v26 =	vadd.s32 $0x1B58, v1  }
0x1ce: {  	v35 =	vld.idx.msk [tilespmem:v35+s21+$0x0], $0xffff;
	v8 =	vadd.f32 v8, v14;
	v14 =	vadd.s32 $0x1F40, v1;
	v12 =	vmul.f32 v12, v31  }
0x1cf: {  	v36 =	vld.idx.msk [tilespmem:v36+s21+$0x0], $0xffff;
	v7 =	vadd.f32 v13, v7;
	v32 =	vmul.f32 v32, v32;
	v39 =	vmul.f32 v39, v39  }
0x1d0: {  	v17 =	vld.idx.msk [tilespmem:v17+s21+$0x0], $0xffff;
	v13 =	vadd.s32 $0x1F40, v3;
	v9 =	vmul.f32 v9, v9;
	v10 =	vmul.f32 v18, v10  }
0x1d1: {  	v31 =	vadd.s32 $0x2AF8, v4;
	v18 =	vmul.f32 v19, v52;
	v55 =	vld.idx.msk [tilespmem:v33+s21+$0x0], $0xffff;
	v33 =	vmul.f32 v38, v56  }
0x1d2: {  	v45 =	vld.idx.msk [tilespmem:v45+s21+$0x0], $0xffff;
	v38 =	vadd.s32 $0x2710, v0;
	v56 =	vadd.s32 $0x32C8, v4;
	v41 =	vmul.f32 v41, v41  }
0x1d3: {  	v34 =	vmul.f32 v34, v34;
	v11 =	vadd.f32 v16, v11;
	v8 =	vadd.f32 v20, v8;
	v20 =	vld.idx.msk [tilespmem:v63+s21+$0x0], $0xffff  }
0x1d4: {  	v16 =	vadd.s32 $0x2328, v2;
	v40 =	vmul.f32 v40, v40;
	v32 =	vmul.f32 v61, v32;
	v63 =	vld.idx.msk [tilespmem:v53+s21+$0x0], $0xffff  }
0x1d5: {  	v52 =	vmul.f32 v35, v35;
	v53 =	vadd.s32 $0x32C8, v5;
	v61 =	vld.idx.msk [tilespmem:v62+s21+$0x0], $0xffff;
	v62 =	vadd.s32 $0x3A98, v4  }
0x1d6: {  	v29 =	vld.idx.msk [tilespmem:v29+s21+$0x0], $0xffff;
	v9 =	vmul.f32 v23, v9;
	v10 =	vadd.f32 v10, v11;
	v11 =	vadd.s32 $0x2710, v2  }
0x1d7: {  	v24 =	vld.idx.msk [tilespmem:v24+s21+$0x0], $0xffff;
	v8 =	vadd.f32 v18, v8;
	v18 =	vadd.s32 $0x2710, v1;
	v17 =	vmul.f32 v17, v17  }
0x1d8: {  	v23 =	vld.idx.msk [tilespmem:v54+s21+$0x0], $0xffff;
	v54 =	vadd.s32 $0x32C8, v1;
	v51 =	vmul.f32 v45, v45;
	v7 =	vadd.f32 v9, v7  }
0x1d9: {  	v15 =	vld.idx.msk [tilespmem:v15+s21+$0x0], $0xffff;
	v9 =	vadd.s32 $0x2328, v3;
	v10 =	vadd.f32 v28, v10;
	v28 =	vadd.s32 $0x2AF8, v2  }
0x1da: {  	v59 =	vld.idx.msk [tilespmem:v59+s21+$0x0], $0xffff;
	v8 =	vadd.f32 v30, v8;
	v30 =	vadd.s32 $0x2AF8, v1;
	v17 =	vmul.f32 v17, v40  }
0x1db: {  	v57 =	vld.idx.msk [tilespmem:v57+s21+$0x0], $0xffff;
	v40 =	vadd.s32 $0x2EE0, v0;
	v19 =	vmul.f32 v55, v55;
	v7 =	vadd.f32 v33, v7  }
0x1dc: {  	v26 =	vld.idx.msk [tilespmem:v26+s21+$0x0], $0xffff;
	v33 =	vadd.s32 $0x2710, v3;
	v29 =	vmul.f32 v29, v29;
	v20 =	vmul.f32 v20, v20  }
0x1dd: {  	v14 =	vld.idx.msk [tilespmem:v14+s21+$0x0], $0xffff;
	v10 =	vadd.f32 v12, v10;
	v12 =	vadd.s32 $0x2EE0, v2;
	v24 =	vmul.f32 v24, v24  }
0x1de: {  	v13 =	vld.idx.msk [tilespmem:v13+s21+$0x0], $0xffff;
	v8 =	vadd.f32 v21, v8;
	v19 =	vmul.f32 v19, v22;
	v15 =	vmul.f32 v15, v15  }
0x1df: {  	v31 =	vld.idx.msk [tilespmem:v31+s21+$0x0], $0xffff;
	v21 =	vadd.s32 $0x2EE0, v1;
	v22 =	vmul.f32 v63, v63;
	v63 =	vmul.f32 v36, v36  }
0x1e0: {  	v38 =	vld.idx.msk [tilespmem:v38+s21+$0x0], $0xffff;
	v7 =	vadd.f32 v44, v7;
	v44 =	vadd.s32 $0x2AF8, v3;
	v10 =	vadd.f32 v32, v10  }
0x1e1: {  	v16 =	vld.idx.msk [tilespmem:v16+s21+$0x0], $0xffff;
	v32 =	vadd.s32 $0x32C8, v2;
	v24 =	vmul.f32 v52, v24;
	v55 =	vmul.f32 v26, v26  }
0x1e2: {  	v11 =	vld.idx.msk [tilespmem:v11+s21+$0x0], $0xffff;
	v8 =	vadd.f32 v19, v8;
	v15 =	vmul.f32 v15, v46;
	v14 =	vmul.f32 v14, v14  }
0x1e3: {  	v18 =	vld.idx.msk [tilespmem:v18+s21+$0x0], $0xffff;
	v46 =	vadd.s32 $0x36B0, v4;
	v13 =	vmul.f32 v13, v13;
	v20 =	vmul.f32 v22, v20  }
0x1e4: {  	v9 =	vld.idx.msk [tilespmem:v9+s21+$0x0], $0xffff;
	v7 =	vadd.f32 v17, v7;
	v17 =	vadd.s32 $0x2EE0, v3;
	v10 =	vadd.f32 v24, v10  }
0x1e5: {  	v52 =	vld.idx.msk [tilespmem:v53+s21+$0x0], $0xffff;
	v24 =	vadd.s32 $0x36B0, v2;
	v25 =	vmul.f32 v41, v55;
	v41 =	vmul.f32 v48, v58  }
0x1e6: {  	v53 =	vld.idx.msk [tilespmem:v54+s21+$0x0], $0xffff;
	v48 =	vadd.s32 $0x36B0, v0;
	v14 =	vmul.f32 v37, v14;
	v16 =	vmul.f32 v16, v16  }
0x1e7: {  	v28 =	vld.idx.msk [tilespmem:v28+s21+$0x0], $0xffff;
	v37 =	vadd.s32 $0x36B0, v3;
	v13 =	vmul.f32 v13, v29;
	v55 =	vmul.f32 v59, v59  }
0x1e8: {  	v33 =	vld.idx.msk [tilespmem:v33+s21+$0x0], $0xffff;
	v7 =	vadd.f32 v27, v7;
	v27 =	vadd.s32 $0x32C8, v3;
	v8 =	vadd.f32 v25, v8  }
0x1e9: {  	v30 =	vld.idx.msk [tilespmem:v30+s21+$0x0], $0xffff;
	v10 =	vadd.f32 v15, v10;
	v16 =	vmul.f32 v39, v16;
	v11 =	vmul.f32 v11, v11  }
0x1ea: {  	v21 =	vld.idx.msk [tilespmem:v21+s21+$0x0], $0xffff;
	v7 =	vadd.f32 v41, v7;
	v9 =	vmul.f32 v9, v9;
	v8 =	vadd.f32 v14, v8  }
0x1eb: {  	v59 =	vld.idx.msk [tilespmem:v50+s21+$0x0], $0xffff;
	v14 =	vmul.f32 v23, v23;
	v10 =	vadd.f32 v13, v10;
	v13 =	vmul.f32 v18, v18  }
0x1ec: {  	v25 =	vadd.s32 $0x36B0, v1;
	v60 =	vld.idx.msk [tilespmem:v44+s21+$0x0], $0xffff;
	v5 =	vmul.f32 v34, v11;
	v11 =	vmul.f32 v38, v38  }
0x1ed: {  	v12 =	vld.idx.msk [tilespmem:v12+s21+$0x0], $0xffff;
	v49 =	vmul.f32 v33, v33;
	v7 =	vadd.f32 v16, v7;
	v16 =	vmul.f32 v28, v28  }
0x1ee: {  	v15 =	vadd.s32 $0x3A98, v2;
	v32 =	vld.idx.msk [tilespmem:v32+s21+$0x0], $0xffff;
	v9 =	vmul.f32 v9, v14;
	v13 =	vmul.f32 v63, v13  }
0x1ef: {  	[tilespmem:s0+$0x30] =	vst v6;
	v44 =	vadd.s32 $0x3A98, v1;
	v17 =	vld.idx.msk [tilespmem:v17+s21+$0x0], $0xffff;
	v6 =	vmul.f32 v21, v21;
	v4 =	vmul.f32 v49, v11  }
0x1f0: {  	v14 =	vld.idx.msk [tilespmem:v43+s21+$0x0], $0xffff;
	v43 =	vadd.s32 $0x3A98, v3;
	v11 =	vmul.f32 v30, v30;
	v3 =	vmul.f32 v51, v16  }
0x1f1: {  	v54 =	vld.idx.msk [tilespmem:v56+s21+$0x0], $0xffff;
	v8 =	vadd.f32 v20, v8;
	v16 =	vmul.f32 v31, v31;
	v56 =	vmul.f32 v60, v60  }
0x1f2: {  	v40 =	vld.idx.msk [tilespmem:v40+s21+$0x0], $0xffff;
	v5 =	vadd.f32 v5, v7;
	v7 =	vmul.f32 v61, v61;
	v61 =	vmul.f32 v59, v59  }
0x1f3: {  	v58 =	vld.idx.msk [tilespmem:v24+s21+$0x0], $0xffff;
	v9 =	vadd.f32 v9, v10;
	v10 =	vmul.f32 v16, v11;
	v11 =	vmul.f32 v12, v12  }
0x1f4: {  	v60 =	vld.idx.msk [tilespmem:v48+s21+$0x0], $0xffff;
	v16 =	vmul.f32 v56, v55;
	v3 =	vadd.f32 v3, v5;
	v5 =	vmul.f32 v32, v32  }
0x1f5: {  	v12 =	vld.idx.msk [tilespmem:v27+s21+$0x0], $0xffff;
	v4 =	vadd.f32 v4, v9;
	v9 =	vmul.f32 v17, v17;
	v14 =	vmul.f32 v14, v14  }
0x1f6: {  	v8 =	vadd.f32 v13, v8;
	v13 =	vld.idx.msk [tilespmem:v25+s21+$0x0], $0xffff;
	v17 =	vmul.f32 v52, v52;
	v7 =	vmul.f32 v7, v11  }
0x1f7: {  	v22 =	vadd.s32 $0x3A98, v0;
	v11 =	vmul.f32 v40, v40;
	v6 =	vmul.f32 v14, v6;
	v14 =	vld.idx.msk [tilespmem:v46+s21+$0x0], $0xffff  }
0x1f8: {  	v15 =	vld.idx.msk [tilespmem:v15+s21+$0x0], $0xffff;
	v8 =	vadd.f32 v10, v8;
	v10 =	vmul.f32 v53, v53;
	v5 =	vmul.f32 v17, v5  }
0x1f9: {  	v4 =	vadd.f32 v16, v4;
	v16 =	vmul.f32 v54, v54;
	v9 =	vmul.f32 v9, v11;
	v11 =	vld.idx.msk [tilespmem:v37+s21+$0x0], $0xffff  }
0x1fa: {  	v17 =	vld.idx.msk [tilespmem:v47+s21+$0x0], $0xffff;
	v7 =	vadd.f32 v7, v3;
	v3 =	vmul.f32 v57, v57;
	v12 =	vmul.f32 v12, v12  }
0x1fb: {  	s30 =	sadd.s32 $0x40, s13;
	v13 =	vmul.f32 v13, v13;
	v6 =	vadd.f32 v6, v8;
	v8 =	vmul.f32 v16, v10;
	v16 =	vld.idx.msk [tilespmem:v44+s21+$0x0], $0xffff  }
0x1fc: {  	p2 =	slt.s32 s30, $0x33C0;
	v9 =	vadd.f32 v9, v4;
	v4 =	vld.idx.msk [tilespmem:v22+s21+$0x0], $0xffff;
	v12 =	vmul.f32 v12, v3;
	v14 =	vmul.f32 v14, v14  }
.Ltmp6:
0x1fd: {  	v63 =	vmul.f32 v60, v60;
	v10 =	vmul.f32 v58, v58;
	v3 =	vld.idx.msk [tilespmem:v62+s21+$0x0], $0xffff;
	v62 =	vadd.f32 v5, v7;
	(pc) =	sbr.rel @!p2 .LBB2_8-.Ltmp6, $4  }
0x1fe: {  	v5 =	vld.idx.msk [tilespmem:v43+s21+$0x0], $0xffff;
	v7 =	vadd.f32 v12, v9;
	v9 =	vmul.f32 v14, v13;
	v13 =	vmul.f32 v11, v11  }
0x1ff: {  	v2 =	vld.idx.msk [tilespmem:v2+s22+$0x0], $0xffff;
	v8 =	vadd.f32 v8, v6;
	v6 =	vmul.f32 v61, v10;
	v10 =	vmul.f32 v15, v15  }
0x200: {  	s31 =	sadd.s32 $0x40, s11;
	vm0 =	vmmov vm0;
	v12 =	vld.idx.msk [tilespmem:v1+s22+$0x0], $0xffff;
	v14 =	vmul.f32 v17, v17;
	v15 =	vmul.f32 v13, v63  }
0x201: {  	s14 =	smov.u32 s1;
	s15 =	smov.u32 s0;
	s29 =	smov.u32 s0;
	v6 =	vadd.f32 v6, v62;
	v11 =	vadd.f32 v9, v8;
	v9 =	vmul.f32 v16, v16;
	v8 =	vld.idx.msk [tilespmem:v0+s22+$0x0], $0xffff  }
.LBB2_7:
0x202: {  	v13 =	vld [tilespmem:s31+$0x30];
	v0 =	vmul.f32 v14, v10;
	v1 =	vmul.f32 v3, v3;
	v14 =	vadd.f32 v15, v7;
	s14 =	sadd.s32 $0x40, s14  }
0x203: {  	s30 =	sadd.s32 $0x40, s30;
	v7 =	vmul.f32 v4, v4;
	v16 =	vld [tilespmem:s14+$0x30]  }
0x204: {  	v5 =	vmul.f32 v5, v5;
	p2 =	slt.s32 s30, $0x33C0;
	v10 =	vld [tilespmem:s14+$0x0];
	v4 =	vadd.f32 v0, v6;
	v1 =	vmul.f32 v1, v9  }
0x205: {  	v2 =	vmul.f32 v2, v2;
	v0 =	vld [tilespmem:s31+$0x10]  }
0x206: {  	v6 =	vmul.f32 v12, v12;
	v12 =	vmul.f32 v5, v7;
	v9 =	vld [tilespmem:s14+$0x10];
	v3 =	vadd.f32 v1, v11  }
0x207: {  	v8 =	vmul.f32 v8, v8;
	v7 =	vnsel vm1, $0x0, v2;
	v1 =	vld [tilespmem:s31+$0x20];
	v15 =	vadd.s32 $0x3E8, v13  }
0x208: {  	v5 =	vnsel vm2, $0x0, v6;
	v6 =	vadd.f32 v12, v14;
	v11 =	vld [tilespmem:s14+$0x20];
	v19 =	vadd.s32 $0x3E8, v16  }
0x209: {  	v12 =	vadd.s32 $0x7D0, v13;
	v2 =	vld [tilespmem:s31+$0x0];
	v30 =	vadd.s32 $0x3E8, v10;
	v23 =	vadd.s32 $0x7D0, v10  }
0x20a: {  	v14 =	vadd.s32 $0x7D0, v16;
	v27 =	vadd.s32 $0x3E8, v0;
	v22 =	vadd.s32 $0x7D0, v0;
	v31 =	vld.idx.msk [tilespmem:v13+s21+$0x0], $0xffff  }
0x20b: {  	v34 =	vadd.s32 $0xBB8, v13;
	v28 =	vadd.s32 $0x3E8, v9;
	v18 =	vadd.s32 $0x7D0, v9;
	v32 =	vld.idx.msk [tilespmem:v16+s21+$0x0], $0xffff  }
0x20c: {  	v36 =	vadd.s32 $0xBB8, v16;
	v29 =	vadd.s32 $0x3E8, v1;
	v20 =	vadd.s32 $0x7D0, v1;
	v35 =	vld.idx.msk [tilespmem:v15+s21+$0x0], $0xffff  }
0x20d: {  	v38 =	vadd.s32 $0xFA0, v13;
	v26 =	vadd.s32 $0x3E8, v11;
	v17 =	vadd.s32 $0x7D0, v11;
	v37 =	vld.idx.msk [tilespmem:v19+s21+$0x0], $0xffff  }
0x20e: {  	v40 =	vadd.s32 $0xFA0, v16;
	v33 =	vadd.s32 $0x3E8, v2;
	v25 =	vadd.s32 $0x7D0, v2;
	v39 =	vld.idx.msk [tilespmem:v12+s21+$0x0], $0xffff  }
0x20f: {  	v42 =	vadd.s32 $0x1388, v13;
	v21 =	vadd.s32 $0xBB8, v10;
	v24 =	vadd.s32 $0xBB8, v2;
	v41 =	vld.idx.msk [tilespmem:v14+s21+$0x0], $0xffff  }
0x210: {  	v43 =	vadd.s32 $0x1388, v16;
	v15 =	vadd.s32 $0xBB8, v9;
	v19 =	vadd.s32 $0xBB8, v0;
	v34 =	vld.idx.msk [tilespmem:v34+s21+$0x0], $0xffff  }
0x211: {  	v44 =	vadd.s32 $0x1770, v13;
	v12 =	vadd.s32 $0xBB8, v11;
	v14 =	vadd.s32 $0xBB8, v1;
	v36 =	vld.idx.msk [tilespmem:v36+s21+$0x0], $0xffff  }
0x212: {  	v45 =	vadd.s32 $0x1770, v16;
	v31 =	vmul.f32 v31, v31;
	v32 =	vmul.f32 v32, v32;
	v38 =	vld.idx.msk [tilespmem:v38+s21+$0x0], $0xffff  }
0x213: {  	v46 =	vadd.s32 $0x1B58, v13;
	v35 =	vmul.f32 v35, v35;
	v37 =	vmul.f32 v37, v37;
	v40 =	vld.idx.msk [tilespmem:v40+s21+$0x0], $0xffff  }
0x214: {  	v31 =	vmul.f32 v32, v31;
	v32 =	vmul.f32 v39, v39;
	v39 =	vld.idx.msk [tilespmem:v42+s21+$0x0], $0xffff;
	v42 =	vadd.s32 $0x1B58, v16  }
0x215: {  	v35 =	vmul.f32 v37, v35;
	v37 =	vmul.f32 v41, v41;
	v41 =	vld.idx.msk [tilespmem:v43+s21+$0x0], $0xffff;
	v43 =	vadd.s32 $0x1F40, v13  }
0x216: {  	v48 =	vadd.s32 $0x2328, v13;
	v47 =	vadd.s32 $0x1F40, v16;
	v34 =	vmul.f32 v34, v34;
	v44 =	vld.idx.msk [tilespmem:v44+s21+$0x0], $0xffff  }
0x217: {  	v31 =	vadd.f32 v35, v31;
	v32 =	vmul.f32 v37, v32;
	v35 =	vmul.f32 v36, v36;
	v36 =	vld.idx.msk [tilespmem:v45+s21+$0x0], $0xffff  }
0x218: {  	v37 =	vmul.f32 v38, v38;
	v45 =	vadd.s32 $0x2328, v16;
	v38 =	vld.idx.msk [tilespmem:v46+s21+$0x0], $0xffff;
	v46 =	vadd.s32 $0x2710, v13  }
0x219: {  	v31 =	vadd.f32 v32, v31;
	v32 =	vmul.f32 v35, v34;
	v34 =	vmul.f32 v40, v40;
	v35 =	vld.idx.msk [tilespmem:v42+s21+$0x0], $0xffff  }
0x21a: {  	v39 =	vmul.f32 v39, v39;
	v42 =	vadd.s32 $0x2710, v16;
	v40 =	vld.idx.msk [tilespmem:v43+s21+$0x0], $0xffff;
	v43 =	vadd.s32 $0x2AF8, v13  }
0x21b: {  	v31 =	vadd.f32 v32, v31;
	v32 =	vmul.f32 v34, v37;
	v34 =	vmul.f32 v41, v41;
	v37 =	vld.idx.msk [tilespmem:v47+s21+$0x0], $0xffff  }
0x21c: {  	v41 =	vmul.f32 v44, v44;
	v47 =	vadd.s32 $0x2AF8, v16;
	v44 =	vld.idx.msk [tilespmem:v48+s21+$0x0], $0xffff;
	v48 =	vadd.s32 $0x2EE0, v13  }
0x21d: {  	v31 =	vadd.f32 v32, v31;
	v32 =	vmul.f32 v34, v39;
	v34 =	vmul.f32 v36, v36;
	v36 =	vld.idx.msk [tilespmem:v45+s21+$0x0], $0xffff  }
0x21e: {  	v38 =	vmul.f32 v38, v38;
	v45 =	vadd.s32 $0x2EE0, v16;
	v39 =	vld.idx.msk [tilespmem:v46+s21+$0x0], $0xffff;
	v46 =	vadd.s32 $0x32C8, v13  }
0x21f: {  	v31 =	vadd.f32 v32, v31;
	v32 =	vmul.f32 v34, v41;
	v34 =	vmul.f32 v35, v35;
	v35 =	vld.idx.msk [tilespmem:v42+s21+$0x0], $0xffff  }
0x220: {  	v40 =	vmul.f32 v40, v40;
	v42 =	vadd.s32 $0x32C8, v16;
	v41 =	vld.idx.msk [tilespmem:v43+s21+$0x0], $0xffff;
	v43 =	vadd.s32 $0x36B0, v13  }
0x221: {  	v31 =	vadd.f32 v32, v31;
	v32 =	vmul.f32 v34, v38;
	v34 =	vmul.f32 v37, v37;
	v37 =	vld.idx.msk [tilespmem:v47+s21+$0x0], $0xffff  }
0x222: {  	v38 =	vmul.f32 v44, v44;
	v47 =	vadd.s32 $0x36B0, v16;
	v44 =	vld.idx.msk [tilespmem:v48+s21+$0x0], $0xffff;
	v48 =	vadd.s32 $0x3A98, v13  }
0x223: {  	v32 =	vadd.f32 v32, v31;
	v34 =	vmul.f32 v34, v40;
	v36 =	vmul.f32 v36, v36;
	v45 =	vld.idx.msk [tilespmem:v45+s21+$0x0], $0xffff  }
0x224: {  	v49 =	vadd.s32 $0x3A98, v16;
	v31 =	vadd.s32 $0xFA0, v2;
	v39 =	vmul.f32 v39, v39;
	v46 =	vld.idx.msk [tilespmem:v46+s21+$0x0], $0xffff  }
0x225: {  	v32 =	vadd.f32 v34, v32;
	v36 =	vmul.f32 v36, v38;
	v35 =	vmul.f32 v35, v35;
	v38 =	vld.idx.msk [tilespmem:v42+s21+$0x0], $0xffff  }
0x226: {  	v40 =	vadd.s32 $0xFA0, v10;
	v34 =	vadd.s32 $0xFA0, v0;
	v41 =	vmul.f32 v41, v41;
	v42 =	vld.idx.msk [tilespmem:v43+s21+$0x0], $0xffff  }
0x227: {  	v36 =	vadd.f32 v36, v32;
	v35 =	vmul.f32 v35, v39;
	v37 =	vmul.f32 v37, v37;
	v43 =	vld.idx.msk [tilespmem:v47+s21+$0x0], $0xffff  }
0x228: {  	v39 =	vadd.s32 $0xFA0, v9;
	v32 =	vadd.s32 $0xFA0, v1;
	v44 =	vmul.f32 v44, v44;
	v47 =	vld.idx.msk [tilespmem:v48+s21+$0x0], $0xffff  }
0x229: {  	v35 =	vadd.f32 v35, v36;
	v36 =	vmul.f32 v37, v41;
	v37 =	vmul.f32 v45, v45;
	v48 =	vld.idx.msk [tilespmem:v49+s21+$0x0], $0xffff  }
0x22a: {  	v45 =	vadd.s32 $0xFA0, v11;
	v46 =	vmul.f32 v46, v46;
	v49 =	vld.idx.msk [tilespmem:v33+s21+$0x0], $0xffff;
	v33 =	vadd.s32 $0x1388, v2  }
0x22b: {  	v35 =	vadd.f32 v36, v35;
	v36 =	vmul.f32 v37, v44;
	v37 =	vmul.f32 v38, v38;
	v50 =	vld.idx.msk [tilespmem:v30+s21+$0x0], $0xffff  }
0x22c: {  	v41 =	vadd.s32 $0x1388, v10;
	v30 =	vadd.s32 $0x1388, v0;
	v38 =	vmul.f32 v42, v42;
	v42 =	vld.idx.msk [tilespmem:v13+s22+$0x0], $0xffff  }
0x22d: {  	v44 =	vld.idx.msk [tilespmem:v27+s21+$0x0], $0xffff;
	v27 =	vadd.f32 v36, v35;
	v35 =	vmul.f32 v37, v46;
	v36 =	vmul.f32 v43, v43  }
0x22e: {  	v43 =	vadd.s32 $0x1388, v9;
	v46 =	vmul.f32 v47, v47;
	v37 =	vld.idx.msk [tilespmem:v28+s21+$0x0], $0xffff;
	v28 =	vadd.s32 $0x1388, v1  }
0x22f: {  	v29 =	vld.idx.msk [tilespmem:v29+s21+$0x0], $0xffff;
	v35 =	vadd.f32 v35, v27;
	v36 =	vmul.f32 v36, v38;
	v38 =	vmul.f32 v48, v48  }
0x230: {  	v47 =	vadd.s32 $0x1388, v11;
	v48 =	vmul.f32 v49, v49;
	v27 =	vadd.s32 $0x1770, v2;
	v49 =	vld.idx.msk [tilespmem:v26+s21+$0x0], $0xffff  }
0x231: {  	v50 =	vmul.f32 v50, v50;
	v51 =	vld.idx.msk [tilespmem:v2+s21+$0x0], $0xffff;
	v35 =	vadd.f32 v36, v35;
	v36 =	vmul.f32 v38, v46  }
0x232: {  	v26 =	vadd.s32 $0x1770, v0;
	v46 =	vadd.s32 $0x1770, v10;
	v42 =	vmul.f32 v42, v42;
	v38 =	vld.idx.msk [tilespmem:v10+s21+$0x0], $0xffff  }
0x233: {  	vm1 =	veq.s32 v13, v16;
	v44 =	vmul.f32 v44, v44;
	v52 =	vld.idx.msk [tilespmem:v0+s21+$0x0], $0xffff;
	v35 =	vadd.f32 v36, v35  }
0x234: {  	v36 =	vmul.f32 v50, v48;
	v37 =	vmul.f32 v37, v37;
	v42 =	vnsel vm1, $0x0, v42;
	v13 =	vld.idx.msk [tilespmem:v9+s21+$0x0], $0xffff  }
0x235: {  	v16 =	vadd.s32 $0x1770, v9;
	v29 =	vmul.f32 v29, v29;
	v53 =	vld.idx.msk [tilespmem:v1+s21+$0x0], $0xffff;
	v35 =	vadd.f32 v42, v35  }
0x236: {  	s15 =	sadd.s32 $0x40, s15;
	v50 =	vadd.s32 $0x1770, v1;
	v54 =	vmul.f32 v37, v44;
	v42 =	vmul.f32 v49, v49;
	v37 =	vld.idx.msk [tilespmem:v11+s21+$0x0], $0xffff  }
0x237: {  	v44 =	vmul.f32 v51, v51;
	v51 =	vadd.s32 $0x1770, v11;
	v55 =	vld.idx.msk [tilespmem:v25+s21+$0x0], $0xffff;
	v25 =	vadd.s32 $0x1B58, v2;
	[tilespmem:s15+$0x30] =	vst v35  }
0x238: {  	v48 =	vadd.s32 $0x1B58, v10;
	v35 =	vmul.f32 v38, v38;
	v38 =	vmul.f32 v42, v29;
	v23 =	vld.idx.msk [tilespmem:v23+s21+$0x0], $0xffff  }
0x239: {  	v49 =	vadd.s32 $0x1B58, v0;
	v42 =	vadd.s32 $0x1B58, v9;
	v29 =	vmul.f32 v52, v52;
	v52 =	vld.idx.msk [tilespmem:v22+s21+$0x0], $0xffff  }
0x23a: {  	v22 =	vmul.f32 v35, v44;
	v56 =	vmul.f32 v13, v13;
	v44 =	vadd.s32 $0x1B58, v1;
	v57 =	vld.idx.msk [tilespmem:v18+s21+$0x0], $0xffff  }
0x23b: {  	v13 =	vadd.s32 $0x1F40, v2;
	v35 =	vadd.s32 $0x1B58, v11;
	v18 =	vmul.f32 v53, v53;
	v20 =	vld.idx.msk [tilespmem:v20+s21+$0x0], $0xffff  }
0x23c: {  	v53 =	vadd.f32 v36, v22;
	v29 =	vmul.f32 v56, v29;
	v36 =	vmul.f32 v37, v37;
	v17 =	vld.idx.msk [tilespmem:v17+s21+$0x0], $0xffff  }
0x23d: {  	v37 =	vadd.s32 $0x1F40, v10;
	v22 =	vadd.s32 $0x1F40, v0;
	v55 =	vmul.f32 v55, v55;
	v24 =	vld.idx.msk [tilespmem:v24+s21+$0x0], $0xffff  }
0x23e: {  	v23 =	vmul.f32 v23, v23;
	v54 =	vadd.f32 v54, v29;
	v56 =	vld.idx.msk [tilespmem:v21+s21+$0x0], $0xffff;
	v21 =	vmul.f32 v36, v18  }
0x23f: {  	v29 =	vadd.s32 $0x1F40, v9;
	v52 =	vmul.f32 v52, v52;
	v18 =	vadd.s32 $0x1F40, v1;
	v19 =	vld.idx.msk [tilespmem:v19+s21+$0x0], $0xffff  }
0x240: {  	v23 =	vmul.f32 v23, v55;
	v55 =	vmul.f32 v57, v57;
	v57 =	vld.idx.msk [tilespmem:v15+s21+$0x0], $0xffff;
	v58 =	vadd.f32 v38, v21  }
0x241: {  	v36 =	vadd.s32 $0x1F40, v11;
	v15 =	vadd.s32 $0x2328, v2;
	v20 =	vmul.f32 v20, v20;
	v14 =	vld.idx.msk [tilespmem:v14+s21+$0x0], $0xffff  }
0x242: {  	v23 =	vadd.f32 v23, v53;
	v52 =	vmul.f32 v55, v52;
	v17 =	vmul.f32 v17, v17;
	v53 =	vld.idx.msk [tilespmem:v12+s21+$0x0], $0xffff  }
0x243: {  	v38 =	vadd.s32 $0x2328, v10;
	v21 =	vadd.s32 $0x2328, v0;
	v12 =	vmul.f32 v24, v24;
	v24 =	vld.idx.msk [tilespmem:v31+s21+$0x0], $0xffff  }
0x244: {  	v55 =	vmul.f32 v56, v56;
	v52 =	vadd.f32 v52, v54;
	v17 =	vmul.f32 v17, v20;
	v40 =	vld.idx.msk [tilespmem:v40+s21+$0x0], $0xffff  }
0x245: {  	v31 =	vadd.s32 $0x2328, v9;
	v20 =	vmul.f32 v19, v19;
	v19 =	vadd.s32 $0x2328, v1;
	v34 =	vld.idx.msk [tilespmem:v34+s21+$0x0], $0xffff  }
0x246: {  	v54 =	vmul.f32 v55, v12;
	v55 =	vmul.f32 v57, v57;
	v17 =	vadd.f32 v17, v58;
	v56 =	vld.idx.msk [tilespmem:v39+s21+$0x0], $0xffff  }
0x247: {  	v12 =	vadd.s32 $0x2710, v2;
	v14 =	vmul.f32 v14, v14;
	v57 =	vld.idx.msk [tilespmem:v32+s21+$0x0], $0xffff;
	v32 =	vadd.s32 $0x2328, v11  }
0x248: {  	v54 =	vadd.f32 v54, v23;
	v20 =	vmul.f32 v55, v20;
	v53 =	vmul.f32 v53, v53;
	v45 =	vld.idx.msk [tilespmem:v45+s21+$0x0], $0xffff  }
0x249: {  	v39 =	vadd.s32 $0x2710, v10;
	v23 =	vadd.s32 $0x2710, v0;
	v24 =	vmul.f32 v24, v24;
	v55 =	vld.idx.msk [tilespmem:v33+s21+$0x0], $0xffff  }
0x24a: {  	v33 =	vmul.f32 v40, v40;
	v52 =	vadd.f32 v20, v52;
	v14 =	vmul.f32 v53, v14;
	v41 =	vld.idx.msk [tilespmem:v41+s21+$0x0], $0xffff  }
0x24b: {  	v20 =	vadd.s32 $0x2710, v1;
	v34 =	vmul.f32 v34, v34;
	v53 =	vld.idx.msk [tilespmem:v30+s21+$0x0], $0xffff;
	v30 =	vadd.s32 $0x2710, v9  }
0x24c: {  	v24 =	vmul.f32 v33, v24;
	v40 =	vmul.f32 v56, v56;
	v17 =	vadd.f32 v14, v17;
	v43 =	vld.idx.msk [tilespmem:v43+s21+$0x0], $0xffff  }
0x24d: {  	v14 =	vadd.s32 $0x2AF8, v2;
	v33 =	vadd.s32 $0x2710, v11;
	v56 =	vmul.f32 v57, v57;
	v57 =	vld.idx.msk [tilespmem:v28+s21+$0x0], $0xffff  }
0x24e: {  	v54 =	vadd.f32 v24, v54;
	v28 =	vmul.f32 v40, v34;
	v34 =	vmul.f32 v45, v45;
	v45 =	vld.idx.msk [tilespmem:v47+s21+$0x0], $0xffff  }
0x24f: {  	v40 =	vadd.s32 $0x2AF8, v10;
	v24 =	vadd.s32 $0x2AF8, v0;
	v47 =	vmul.f32 v55, v55;
	v27 =	vld.idx.msk [tilespmem:v27+s21+$0x0], $0xffff  }
0x250: {  	v41 =	vmul.f32 v41, v41;
	v52 =	vadd.f32 v28, v52;
	v34 =	vmul.f32 v34, v56;
	v46 =	vld.idx.msk [tilespmem:v46+s21+$0x0], $0xffff  }
0x251: {  	v28 =	vadd.s32 $0x2AF8, v9;
	v53 =	vmul.f32 v53, v53;
	v55 =	vld.idx.msk [tilespmem:v26+s21+$0x0], $0xffff;
	v26 =	vadd.s32 $0x2AF8, v1  }
0x252: {  	v41 =	vmul.f32 v41, v47;
	v43 =	vmul.f32 v43, v43;
	v17 =	vadd.f32 v34, v17;
	v47 =	vld.idx.msk [tilespmem:v16+s21+$0x0], $0xffff  }
0x253: {  	v34 =	vadd.s32 $0x2AF8, v11;
	v16 =	vadd.s32 $0x2EE0, v2;
	v56 =	vmul.f32 v57, v57;
	v50 =	vld.idx.msk [tilespmem:v50+s21+$0x0], $0xffff  }
0x254: {  	v54 =	vadd.f32 v41, v54;
	v43 =	vmul.f32 v43, v53;
	v45 =	vmul.f32 v45, v45;
	v51 =	vld.idx.msk [tilespmem:v51+s21+$0x0], $0xffff  }
0x255: {  	v41 =	vadd.s32 $0x2EE0, v10;
	v53 =	vmul.f32 v27, v27;
	v57 =	vld.idx.msk [tilespmem:v25+s21+$0x0], $0xffff;
	v25 =	vadd.s32 $0x2EE0, v0  }
0x256: {  	v46 =	vmul.f32 v46, v46;
	v52 =	vadd.f32 v43, v52;
	v45 =	vmul.f32 v45, v56;
	v48 =	vld.idx.msk [tilespmem:v48+s21+$0x0], $0xffff  }
0x257: {  	v27 =	vadd.s32 $0x2EE0, v1;
	v43 =	vadd.s32 $0x2EE0, v9;
	v55 =	vmul.f32 v55, v55;
	v49 =	vld.idx.msk [tilespmem:v49+s21+$0x0], $0xffff  }
0x258: {  	v46 =	vmul.f32 v46, v53;
	v47 =	vmul.f32 v47, v47;
	v45 =	vadd.f32 v45, v17;
	v53 =	vld.idx.msk [tilespmem:v42+s21+$0x0], $0xffff  }
0x259: {  	v17 =	vadd.s32 $0x32C8, v2;
	v50 =	vmul.f32 v50, v50;
	v42 =	vadd.s32 $0x2EE0, v11;
	v56 =	vld.idx.msk [tilespmem:v44+s21+$0x0], $0xffff  }
0x25a: {  	v46 =	vadd.f32 v46, v54;
	v47 =	vmul.f32 v47, v55;
	v51 =	vmul.f32 v51, v51;
	v54 =	vld.idx.msk [tilespmem:v35+s21+$0x0], $0xffff  }
0x25b: {  	v44 =	vadd.s32 $0x32C8, v10;
	v55 =	vmul.f32 v57, v57;
	v57 =	vld.idx.msk [tilespmem:v13+s21+$0x0], $0xffff;
	v13 =	vadd.s32 $0x32C8, v0  }
0x25c: {  	v48 =	vmul.f32 v48, v48;
	v47 =	vadd.f32 v47, v52;
	v50 =	vmul.f32 v51, v50;
	v58 =	vld.idx.msk [tilespmem:v37+s21+$0x0], $0xffff  }
0x25d: {  	v35 =	vadd.s32 $0x32C8, v1;
	v49 =	vmul.f32 v49, v49;
	v37 =	vadd.s32 $0x32C8, v9;
	v51 =	vld.idx.msk [tilespmem:v22+s21+$0x0], $0xffff  }
0x25e: {  	v48 =	vmul.f32 v48, v55;
	v52 =	vmul.f32 v53, v53;
	v45 =	vadd.f32 v50, v45;
	v53 =	vld.idx.msk [tilespmem:v29+s21+$0x0], $0xffff  }
0x25f: {  	v22 =	vadd.s32 $0x36B0, v2;
	v50 =	vmul.f32 v56, v56;
	v29 =	vadd.s32 $0x32C8, v11;
	v55 =	vld.idx.msk [tilespmem:v18+s21+$0x0], $0xffff  }
0x260: {  	v46 =	vadd.f32 v48, v46;
	v18 =	vmul.f32 v52, v49;
	v48 =	vmul.f32 v54, v54;
	v49 =	vld.idx.msk [tilespmem:v36+s21+$0x0], $0xffff  }
0x261: {  	v52 =	vmul.f32 v57, v57;
	v36 =	vadd.s32 $0x36B0, v10;
	v54 =	vld.idx.msk [tilespmem:v15+s21+$0x0], $0xffff;
	v15 =	vadd.s32 $0x36B0, v0  }
0x262: {  	v56 =	vmul.f32 v58, v58;
	v47 =	vadd.f32 v18, v47;
	v18 =	vmul.f32 v48, v50;
	v57 =	vld.idx.msk [tilespmem:v38+s21+$0x0], $0xffff  }
0x263: {  	v48 =	vmul.f32 v51, v51;
	v38 =	vadd.s32 $0x36B0, v9;
	v50 =	vld.idx.msk [tilespmem:v21+s21+$0x0], $0xffff;
	v21 =	vadd.s32 $0x36B0, v1  }
0x264: {  	v51 =	vmul.f32 v56, v52;
	v52 =	vmul.f32 v53, v53;
	v45 =	vadd.f32 v18, v45;
	v53 =	vld.idx.msk [tilespmem:v31+s21+$0x0], $0xffff  }
0x265: {  	v18 =	vadd.s32 $0x3A98, v2;
	v55 =	vmul.f32 v55, v55;
	v56 =	vld.idx.msk [tilespmem:v19+s21+$0x0], $0xffff;
	v19 =	vadd.s32 $0x36B0, v11  }
0x266: {  	v46 =	vadd.f32 v51, v46;
	v48 =	vmul.f32 v52, v48;
	v49 =	vmul.f32 v49, v49;
	v51 =	vld.idx.msk [tilespmem:v32+s21+$0x0], $0xffff  }
0x267: {  	v31 =	vadd.s32 $0x3A98, v10;
	v52 =	vmul.f32 v54, v54;
	v54 =	vld.idx.msk [tilespmem:v12+s21+$0x0], $0xffff;
	v12 =	vadd.s32 $0x3A98, v0  }
0x268: {  	v57 =	vmul.f32 v57, v57;
	v47 =	vadd.f32 v48, v47;
	v48 =	vmul.f32 v49, v55;
	v39 =	vld.idx.msk [tilespmem:v39+s21+$0x0], $0xffff  }
0x269: {  	v32 =	vadd.s32 $0x3A98, v9;
	v49 =	vmul.f32 v50, v50;
	v50 =	vld.idx.msk [tilespmem:v23+s21+$0x0], $0xffff;
	v23 =	vadd.s32 $0x3A98, v1  }
0x26a: {  	v52 =	vmul.f32 v57, v52;
	v53 =	vmul.f32 v53, v53;
	v45 =	vadd.f32 v48, v45;
	v30 =	vld.idx.msk [tilespmem:v30+s21+$0x0], $0xffff  }
0x26b: {  	vm1 =	veq.s32 v2, v10;
	v10 =	vadd.s32 $0x3A98, v11;
	v48 =	vmul.f32 v56, v56;
	v20 =	vld.idx.msk [tilespmem:v20+s21+$0x0], $0xffff  }
0x26c: {  	v46 =	vadd.f32 v52, v46;
	v49 =	vmul.f32 v53, v49;
	v51 =	vmul.f32 v51, v51;
	v33 =	vld.idx.msk [tilespmem:v33+s21+$0x0], $0xffff  }
0x26d: {  	vm2 =	veq.s32 v0, v9;
	vm3 =	veq.s32 v1, v11;
	v52 =	vmul.f32 v54, v54;
	v14 =	vld.idx.msk [tilespmem:v14+s21+$0x0], $0xffff  }
0x26e: {  	v9 =	vmul.f32 v39, v39;
	v39 =	vadd.f32 v49, v47;
	v11 =	vld.idx.msk [tilespmem:v40+s21+$0x0], $0xffff;
	v40 =	vmul.f32 v51, v48  }
0x26f: {  	v4 =	vadd.f32 v7, v4;
	v7 =	vnsel vm0, $0x0, v8;
	v47 =	vmul.f32 v50, v50;
	v24 =	vld.idx.msk [tilespmem:v24+s21+$0x0], $0xffff  }
0x270: {  	v8 =	vmul.f32 v9, v52;
	v9 =	vmul.f32 v30, v30;
	v28 =	vld.idx.msk [tilespmem:v28+s21+$0x0], $0xffff;
	v30 =	vadd.f32 v40, v45  }
0x271: {  	v3 =	vadd.f32 v5, v3;
	v5 =	vadd.f32 v7, v6;
	v20 =	vmul.f32 v20, v20;
	v26 =	vld.idx.msk [tilespmem:v26+s21+$0x0], $0xffff  }
0x272: {  	v6 =	vadd.f32 v8, v46;
	v7 =	vmul.f32 v9, v47;
	v8 =	vmul.f32 v33, v33;
	v9 =	vld.idx.msk [tilespmem:v34+s21+$0x0], $0xffff  }
0x273: {  	vm0 =	vmmov vm3;
	v14 =	vmul.f32 v14, v14;
	v16 =	vld.idx.msk [tilespmem:v16+s21+$0x0], $0xffff;
	[tilespmem:s29+$0x0] =	vst v4  }
0x274: {  	v4 =	vmul.f32 v11, v11;
	v7 =	vadd.f32 v7, v39;
	v8 =	vmul.f32 v8, v20;
	v11 =	vld.idx.msk [tilespmem:v41+s21+$0x0], $0xffff  }
0x275: {  	v20 =	vmul.f32 v24, v24;
	v24 =	vld.idx.msk [tilespmem:v25+s21+$0x0], $0xffff;
	[tilespmem:s29+$0x10] =	vst v3  }
0x276: {  	v3 =	vmul.f32 v4, v14;
	v4 =	vmul.f32 v28, v28;
	v8 =	vadd.f32 v8, v30;
	v14 =	vld.idx.msk [tilespmem:v43+s21+$0x0], $0xffff  }
0x277: {  	v25 =	vmul.f32 v26, v26;
	v26 =	vld.idx.msk [tilespmem:v27+s21+$0x0], $0xffff;
	[tilespmem:s29+$0x20] =	vst v5;
	s29 =	smov.u32 s15  }
0x278: {  	v3 =	vadd.f32 v3, v6;
	v4 =	vmul.f32 v4, v20;
	v5 =	vmul.f32 v9, v9;
	v6 =	vld.idx.msk [tilespmem:v42+s21+$0x0], $0xffff  }
0x279: {  	v9 =	vmul.f32 v16, v16;
	v16 =	vld.idx.msk [tilespmem:v17+s21+$0x0], $0xffff  }
0x27a: {  	v11 =	vmul.f32 v11, v11;
	v4 =	vadd.f32 v4, v7;
	v5 =	vmul.f32 v5, v25;
	v17 =	vld.idx.msk [tilespmem:v44+s21+$0x0], $0xffff  }
0x27b: {  	v7 =	vmul.f32 v24, v24;
	v13 =	vld.idx.msk [tilespmem:v13+s21+$0x0], $0xffff  }
0x27c: {  	v9 =	vmul.f32 v11, v9;
	v11 =	vmul.f32 v14, v14;
	v5 =	vadd.f32 v5, v8;
	v14 =	vld.idx.msk [tilespmem:v37+s21+$0x0], $0xffff  }
0x27d: {  	v8 =	vmul.f32 v26, v26;
	v20 =	vld.idx.msk [tilespmem:v35+s21+$0x0], $0xffff  }
0x27e: {  	v3 =	vadd.f32 v9, v3;
	v7 =	vmul.f32 v11, v7;
	v6 =	vmul.f32 v6, v6;
	v9 =	vld.idx.msk [tilespmem:v29+s21+$0x0], $0xffff  }
0x27f: {  	v11 =	vmul.f32 v16, v16;
	v16 =	vld.idx.msk [tilespmem:v22+s21+$0x0], $0xffff  }
0x280: {  	v17 =	vmul.f32 v17, v17;
	v4 =	vadd.f32 v7, v4;
	v6 =	vmul.f32 v6, v8;
	v22 =	vld.idx.msk [tilespmem:v36+s21+$0x0], $0xffff  }
0x281: {  	v7 =	vmul.f32 v13, v13;
	v8 =	vld.idx.msk [tilespmem:v15+s21+$0x0], $0xffff  }
0x282: {  	v11 =	vmul.f32 v17, v11;
	v13 =	vmul.f32 v14, v14;
	v5 =	vadd.f32 v6, v5;
	v14 =	vld.idx.msk [tilespmem:v38+s21+$0x0], $0xffff  }
0x283: {  	v6 =	vmul.f32 v20, v20;
	v15 =	vld.idx.msk [tilespmem:v21+s21+$0x0], $0xffff  }
0x284: {  	v11 =	vadd.f32 v11, v3;
	v3 =	vmul.f32 v13, v7;
	v7 =	vmul.f32 v9, v9;
	v9 =	vld.idx.msk [tilespmem:v19+s21+$0x0], $0xffff  }
0x285: {  	v13 =	vmul.f32 v16, v16;
	v16 =	vld.idx.msk [tilespmem:v18+s21+$0x0], $0xffff  }
0x286: {  	v17 =	vmul.f32 v22, v22;
	v19 =	vadd.f32 v3, v4;
	v4 =	vmul.f32 v7, v6;
	v18 =	vld.idx.msk [tilespmem:v31+s21+$0x0], $0xffff  }
0x287: {  	v8 =	vmul.f32 v8, v8;
	v20 =	vld.idx.msk [tilespmem:v12+s21+$0x0], $0xffff  }
0x288: {  	v6 =	vmul.f32 v17, v13;
	v12 =	vmul.f32 v14, v14;
	v7 =	vadd.f32 v4, v5;
	v3 =	vld.idx.msk [tilespmem:v32+s21+$0x0], $0xffff  }
.Ltmp7:
0x289: {  	v13 =	vmul.f32 v15, v15;
	v4 =	vld.idx.msk [tilespmem:v23+s21+$0x0], $0xffff;
	(pc) =	sbr.rel @p2 .LBB2_7-.Ltmp7, $4  }
0x28a: {  	v6 =	vadd.f32 v6, v11;
	v8 =	vmul.f32 v12, v8;
	v9 =	vmul.f32 v9, v9;
	v5 =	vld.idx.msk [tilespmem:v10+s21+$0x0], $0xffff  }
0x28b: {  	v10 =	vmul.f32 v16, v16;
	v2 =	vld.idx.msk [tilespmem:v2+s22+$0x0], $0xffff  }
0x28c: {  	v14 =	vmul.f32 v18, v18;
	v11 =	vadd.f32 v8, v19;
	v15 =	vmul.f32 v9, v13;
	v12 =	vld.idx.msk [tilespmem:v0+s22+$0x0], $0xffff  }
0x28d: {  	s31 =	sadd.s32 $0x40, s31;
	v9 =	vmul.f32 v20, v20;
	v8 =	vld.idx.msk [tilespmem:v1+s22+$0x0], $0xffff  }
.Ltmp8:
0x28e: {  	_ = 	snop;
	(pc) =	sbr.rel .LBB2_8-.Ltmp8, $1  }
0x28f: {  	_ =	sdelay $0x3  }
.LBB2_10:
0x290: {  	_ =	sfence.sel $0x180000  }
0x291: {  	[bflag:$0x0] =	sbarrier.arrive $0xFFFF  }
0x292: {  	_ =	strace $0x90000047  }
0x293: {  	s0 =	stileid.u32;
	[bflag:$0x2] =	sbarrier.arrive $0xFFFF  }
0x294: {  	p0 =	sne.s32 s0, $0x0;
	s0 =	rddreg [dreg:$0x5]  }
0x295: {  	s0 =	sadd.s32 @!p0 $0x100000, s0  }
0x296: {  	[sflag:s0] =	ssyncadd.tile.s32 @!p0 $0x1;
	_ =	shalt  }
.Lfunc_end2:
_tile_overlayer_lowered:
.L_overlay_start_2:
0x297: {  	(tag) =	ssettag $0x2  }
0x298: {  	s0 =	rddreg [dreg:$0x0];
	s2 =	stileid.u32  }
0x299: {  	s1 =	rddreg [dreg:$0x1];
	p0 =	sne.s32 s2, $0x0  }
0x29a: {  	s3 =	rddreg [dreg:$0x2];
	[bflag:$0x3] =	sbarrier.arrive $0xFFFF;
	s2 =	simm.s32 @!p0 $0x1C03  }
0x29b: {  	[timem:s3], [sflag:s2] =	dma.local @!p0 [hbm:s0], s1  }
0x29c: {  	s0 =	simm.s32 @!p0 $0x3  }
0x29d: {  	_ =	swait.ge @!p0 [sflag:s0], s1  }
0x29e: {  	s1 =	ssub.s32 @!p0 $0x0, s1;
	[sflag:s0] =	ssyncset.done @!p0 $0x0  }
0x29f: {  	[sflag:s0] =	ssyncadd.s32 @!p0 s1  }
0x2a0: {  	[bflag:$0x3] =	sbarrier.arrive $0xFFFF  }
0x2a1: {  	_ =	shalt  }

</sc_bundles>
